<compile_context>
chip_gen: v7x
topology: tpu7x:2x2x1
jax: 0.10.2.dev20260603
libtpu: 0.0.44.dev20260713+nightly
codegen_flags: <defaults>
</compile_context>

<pallas_src>
import functools
import jax
import jax.numpy as jnp
from jax import lax
from jax.experimental import pallas as pl
from jax.experimental.pallas import tpu as pltpu
from jax.experimental.pallas import tpu_sc as plsc

EPS = 1e-6
OUT_N = 10000
IN_N = 10000
KN = 160000
PN = 8
DN = 128
DH = DN // 2

N_SUB = 16
EDGES = KN * PN
E_PER_SUB = EDGES // N_SUB
CHUNK = 80
R_CH = 25
N_CH = E_PER_SUB // CHUNK
N_REF = N_CH // R_CH

KB = 1250
BK = 50
GRID = KB // BK


def _hyper_body(p0_ref, p1_ref, ps_ref, pv_ref, sr_ref, sc_ref,
                rows_ref, cols_ref, vals_ref):
    p0 = p0_ref[...]
    p1 = p1_ref[...]
    m0 = jax.nn.sigmoid(p0) * (OUT_N - 1.0)
    m1 = jax.nn.sigmoid(p1) * (IN_N - 1.0)
    sg = jnp.logaddexp(ps_ref[...] + 2.0, 0.0) + EPS
    s0 = sg * (OUT_N * 0.2)
    s1 = sg * (IN_N * 0.2)
    val = pv_ref[...]

    f0 = jnp.floor(m0)
    c0 = jnp.ceil(m0)
    f1 = jnp.floor(m1)
    c1 = jnp.ceil(m1)

    r_fl = [f0, f0, c0, c0,
            sr_ref[0].astype(jnp.float32), sr_ref[1].astype(jnp.float32),
            sr_ref[2].astype(jnp.float32), sr_ref[3].astype(jnp.float32)]
    c_fl = [f1, c1, f1, c1,
            sc_ref[0].astype(jnp.float32), sc_ref[1].astype(jnp.float32),
            sc_ref[2].astype(jnp.float32), sc_ref[3].astype(jnp.float32)]

    props = []
    for p in range(PN):
        d0 = (r_fl[p] - m0) / s0
        d1 = (c_fl[p] - m1) / s1
        props.append(jnp.exp(-0.5 * (d0 * d0 + d1 * d1)))
    denom = props[0] + EPS
    for p in range(1, PN):
        denom = denom + (props[p] + EPS)
    for p in range(PN):
        v_p = val * props[p] / denom
        rows_ref[p] = jnp.clip(r_fl[p].astype(jnp.int32), 0, OUT_N - 1)
        cols_ref[p] = jnp.clip(c_fl[p].astype(jnp.int32), 0, IN_N - 1)
        vals_ref[p] = v_p


def _hyper(params, sampled_ints):
    p0 = params[:, 0].reshape(KB, 128)
    p1 = params[:, 1].reshape(KB, 128)
    ps = params[:, 2].reshape(KB, 128)
    pv = params[:, 3].reshape(KB, 128)
    sr = sampled_ints[:, :, 0].T.reshape(4, KB, 128)
    sc = sampled_ints[:, :, 1].T.reshape(4, KB, 128)

    rows, cols, vals = pl.pallas_call(
        _hyper_body,
        out_shape=[
            jax.ShapeDtypeStruct((PN, KB, 128), jnp.int32),
            jax.ShapeDtypeStruct((PN, KB, 128), jnp.int32),
            jax.ShapeDtypeStruct((PN, KB, 128), jnp.float32),
        ],
    )(p0, p1, ps, pv, sr, sc)
    return rows, cols, vals


def _sc_body(tbl_hbm, rows_hbm, cols_hbm, vals_hbm, out_hbm,
             rows_v, cols_v, vals_v, gbuf, zbuf, acc, sem):
    c = lax.axis_index("c")
    s = lax.axis_index("s")

    def _z(i, _):
        zbuf[i // 4, pl.ds((i % 4) * 16, 16)] = jnp.zeros((16,), jnp.float32)
        return 0
    lax.fori_loop(0, 500, _z, 0)
    for t in range(5):
        pltpu.sync_copy(zbuf, acc.at[pl.ds(s * 625 + t * 125, 125)])
    plsc.subcore_barrier()

    def _refill(r, _):
        pltpu.sync_copy(rows_hbm.at[s, pl.ds(r * R_CH, R_CH)], rows_v)
        pltpu.sync_copy(cols_hbm.at[c, s, pl.ds(r * R_CH, R_CH)], cols_v)
        pltpu.sync_copy(vals_hbm.at[s, pl.ds(r * R_CH, R_CH)], vals_v)

        def _chunk(j, _):
            pltpu.async_copy(tbl_hbm.at[cols_v.at[j]], gbuf, sem).wait()

            def _scale(e, _):
                vb = plsc.load_gather(
                    vals_v,
                    [jnp.full((16,), j, jnp.int32), jnp.full((16,), e, jnp.int32)],
                )
                for g in range(4):
                    gbuf[e, pl.ds(g * 16, 16)] = gbuf[e, pl.ds(g * 16, 16)] * vb
                return 0
            lax.fori_loop(0, CHUNK, _scale, 0)
            pltpu.sync_copy(gbuf, acc.at[rows_v.at[j]], add=True)
            return 0
        lax.fori_loop(0, R_CH, _chunk, 0)
        return 0
    lax.fori_loop(0, N_REF, _refill, 0)

    plsc.subcore_barrier()
    for t in range(5):
        base = s * 625 + t * 125
        pltpu.sync_copy(acc.at[pl.ds(base, 125)],
                        out_hbm.at[pl.ds(base, 125), pl.ds(c * DH, DH)])


@functools.partial(jax.jit, donate_argnums=())
def kernel(input, params, sampled_ints):
    rows8, cols8, vals8 = _hyper(params, sampled_ints)
    rows16 = rows8.reshape(N_SUB, N_CH, CHUNK)
    cols16 = cols8.reshape(N_SUB, N_CH, CHUNK)
    cols2 = jnp.stack([cols16, cols16 + IN_N])
    vals16 = vals8.reshape(N_SUB, N_CH, CHUNK)
    tbl = jnp.concatenate([input[:, :DH], input[:, DH:]], axis=0)

    sc_call = pl.kernel(
        _sc_body,
        out_type=jax.ShapeDtypeStruct((OUT_N, DN), jnp.float32),
        mesh=plsc.VectorSubcoreMesh(core_axis_name="c", subcore_axis_name="s"),
        compiler_params=pltpu.CompilerParams(use_tc_tiling_on_sc=False,
                                            needs_layout_passes=False),
        scratch_types=[
            pltpu.VMEM((R_CH, CHUNK), jnp.int32),
            pltpu.VMEM((R_CH, CHUNK), jnp.int32),
            pltpu.VMEM((R_CH, CHUNK), jnp.float32),
            pltpu.VMEM((CHUNK, DH), jnp.float32),
            pltpu.VMEM((125, DH), jnp.float32),
            pltpu.VMEM_SHARED((OUT_N, DH), jnp.float32),
            pltpu.SemaphoreType.DMA,
        ],
    )
    return sc_call(tbl, rows16, cols2, vals16)

# --- scband reference (transcript-rebuilt; emitter-appended) ---
"""Pipeline reference for scband-matrix-hyperlayer-46634754900206 (READ-ONLY COPY).

The authoritative reference and input builder live on the scoring server;
editing this copy changes nothing except your own understanding.
"""

import jax, jax.numpy as jnp
import numpy as np
import itertools

EPSILON = 1e-6
SIGMA_BOOST = 2.0
IN_NUM = 10000
OUT_NUM = 10000
K = 160000
ADDITIONAL = 4
SIGMA_SCALE = 0.2
RANK = 2
D = 128


def _floor_mask():
    lsts = [[bool(b) for b in bools] for bools in itertools.product([True, False], repeat=RANK)]
    return jnp.array(lsts)  # [4, 2] bool


def setup_inputs(seed: int = 0) -> dict:
    key = jax.random.key(seed)
    k1, k2, k3 = jax.random.split(key, 3)
    inp = jax.random.normal(k1, (IN_NUM, D), dtype=jnp.float32)
    # learned hypernetwork parameters: [k, 4] = (2 index coords, 1 sigma, 1 value)
    params = jax.random.normal(k2, (K, 4), dtype=jnp.float32)
    # pre-sampled 'additional' integer index tuples uniform over rng=(OUT_NUM, IN_NUM)
    # (torch version samples these inside forward; materialized here for determinism)
    u = jax.random.uniform(k3, (K, ADDITIONAL, RANK), dtype=jnp.float32) * (1.0 - EPSILON)
    rng = jnp.array([OUT_NUM, IN_NUM], dtype=jnp.float32)
    sampled_ints = jnp.floor(u * rng[None, None, :]).astype(jnp.int32)
    return {"input": inp, "params": params, "sampled_ints": sampled_ints}


def reference(input, params, sampled_ints):
    # --- hyper(): evaluate hypernetwork ---
    w_rank = RANK
    means = jax.nn.sigmoid(params[:, 0:w_rank])  # [K, 2] in (0,1)
    s = jnp.array([OUT_NUM, IN_NUM], dtype=jnp.float32)
    means = means * (s - 1.0)[None, :]  # scale to [0, dim-1]
    sigmas = jax.nn.softplus(params[:, w_rank:w_rank + 1] + SIGMA_BOOST) + EPSILON  # [K,1]
    sigmas = jnp.broadcast_to(sigmas, (params.shape[0], w_rank)) * s[None, :] * SIGMA_SCALE  # [K,2]
    values = params[:, w_rank + 1]  # [K]

    # --- discretize(): floor/ceil neighbors + sampled ints ---
    fm = _floor_mask()  # [4, 2]
    m = means[:, None, :]
    neighbor = jnp.where(fm[None, :, :], jnp.floor(m), jnp.ceil(m))  # [K, 4, 2]
    neighbor_ints = neighbor.astype(jnp.int32)
    ints = jnp.concatenate([neighbor_ints, sampled_ints], axis=1)  # [K, P, 2], P = 4 + additional
    ints_fl = ints.astype(jnp.float32)

    # gaussian densities of integer tuples under per-entry diagonal gaussians
    diff = (ints_fl - means[:, None, :]) / sigmas[:, None, :]
    props = jnp.exp(-0.5 * jnp.sum(diff * diff, axis=2))  # [K, P]
    props = props / jnp.sum(props + EPSILON, axis=1, keepdims=True)

    vals = values[:, None] * props  # [K, P]

    rows = jnp.clip(ints[:, :, 0].reshape(-1), 0, OUT_NUM - 1)
    cols = jnp.clip(ints[:, :, 1].reshape(-1), 0, IN_NUM - 1)
    v = vals.reshape(-1)

    # sparse (OUT_NUM, IN_NUM) matrix times input (IN_NUM, D): gather rows, scale, scatter-add
    gathered = jnp.take(input, cols, axis=0) * v[:, None]
    out = jnp.zeros((OUT_NUM, input.shape[1]), dtype=input.dtype).at[rows].add(gathered)
    return out

if __name__ == "__main__":
    import jax
    _d = setup_inputs()
    print(jax.jit(kernel)(*tuple(_d.values())))

</pallas_src>

<mosaic_0001>
#map = affine_map<(d0, d1) -> (0, 0)>
#map1 = affine_map<(d0, d1) -> (0, 0, 0)>
#map2 = affine_map<(d0, d1) -> (0, 0, 0, 0)>
module attributes {stable_mosaic.version = 14 : i64} {
  func.func @_sc_body(%arg0: i32, %arg1: i32, %arg2: memref<20000x64xf32, #tpu.memory_space<hbm>>, %arg3: memref<16x1000x80xi32, #tpu.memory_space<hbm>>, %arg4: memref<2x16x1000x80xi32, #tpu.memory_space<hbm>>, %arg5: memref<16x1000x80xf32, #tpu.memory_space<hbm>>, %arg6: memref<10000x128xf32, #tpu.memory_space<hbm>>, %arg7: memref<25x80xi32, #tpu.memory_space<vmem>>, %arg8: memref<25x80xi32, #tpu.memory_space<vmem>>, %arg9: memref<25x80xf32, #tpu.memory_space<vmem>>, %arg10: memref<80x64xf32, #tpu.memory_space<vmem>>, %arg11: memref<125x64xf32, #tpu.memory_space<vmem>>, %arg12: memref<10000x64xf32, #tpu.memory_space<vmem_shared>>, %arg13: memref<!tpu.dma_semaphore, #tpu.memory_space<semaphore_mem>>) attributes {dimension_semantics = [#tpu.dimension_semantics<core_parallel>, #tpu.dimension_semantics<subcore_parallel>], iteration_bounds = array<i64: 2, 16>, scalar_prefetch = 0 : i64, scratch_operands = 7 : i64, tpu.core_type = #tpu.core_type<sc_vector_subcore>, window_params = [{transform_indices = #map}, {transform_indices = #map1}, {transform_indices = #map2}, {transform_indices = #map1}, {transform_indices = #map}]} {
    %scan3A = arith.constant 0 : i32
    %scan3A_0 = arith.constant 0 : i32
    %scan3A_1 = arith.constant 500 : i32
    %scan3A_2 = arith.addi %scan3A_0, %scan3A_1 : i32
    %scan3A_3 = arith.constant 1 : i32
    %scan3A_4 = scf.for %scan3A_62 = %scan3A_0 to %scan3A_2 step %scan3A_3 iter_args(%scan3A_63 = %scan3A) -> (i32)  : i32 {
      %broadcast_in_dim3A = arith.constant 0.000000e+00 : f32
      %broadcast_in_dim3A_64 = vector.broadcast %broadcast_in_dim3A : f32 to vector<16xf32>
      %jit3A = arith.constant 4 : i32
      %div3A = arith.divsi %scan3A_62, %jit3A : i32
      %sign3A = arith.constant 0 : i32
      %sign3A_65 = arith.cmpi sgt, %scan3A_62, %sign3A : i32
      %sign3A_66 = arith.extui %sign3A_65 : i1 to i32
      %sign3A_67 = arith.constant 0 : i32
      %sign3A_68 = arith.cmpi slt, %scan3A_62, %sign3A_67 : i32
      %sign3A_69 = arith.extui %sign3A_68 : i1 to i32
      %sign3A_70 = arith.subi %sign3A_66, %sign3A_69 : i32
      %sign3A_71 = arith.constant 0 : i32
      %sign3A_72 = arith.cmpi sgt, %jit3A, %sign3A_71 : i32
      %sign3A_73 = arith.extui %sign3A_72 : i1 to i32
      %sign3A_74 = arith.constant 0 : i32
      %sign3A_75 = arith.cmpi slt, %jit3A, %sign3A_74 : i32
      %sign3A_76 = arith.extui %sign3A_75 : i1 to i32
      %sign3A_77 = arith.subi %sign3A_73, %sign3A_76 : i32
      %ne3A = arith.cmpi ne, %sign3A_70, %sign3A_77 : i32
      %rem3A = arith.remsi %scan3A_62, %jit3A : i32
      %ne3A_78 = arith.constant 0 : i32
      %ne3A_79 = arith.cmpi ne, %rem3A, %ne3A_78 : i32
      %and3A = arith.andi %ne3A, %ne3A_79 : i1
      %sub3A = arith.constant 1 : i32
      %sub3A_80 = arith.subi %div3A, %sub3A : i32
      %select_n3A = arith.select %and3A, %sub3A_80, %div3A : i32
      %jit3A_81 = arith.constant 4 : i32
      %eq3A = arith.constant 0 : i32
      %eq3A_82 = arith.cmpi eq, %jit3A_81, %eq3A : i32
      %jit3A_83 = arith.constant 1 : i32
      %select_n3A_84 = arith.select %eq3A_82, %jit3A_83, %jit3A_81 : i32
      %rem3A_85 = arith.remsi %scan3A_62, %select_n3A_84 : i32
      %ne3A_86 = arith.constant 0 : i32
      %ne3A_87 = arith.cmpi ne, %rem3A_85, %ne3A_86 : i32
      %lt3A = arith.constant 0 : i32
      %lt3A_88 = arith.cmpi slt, %rem3A_85, %lt3A : i32
      %lt3A_89 = arith.constant 0 : i32
      %lt3A_90 = arith.cmpi slt, %select_n3A_84, %lt3A_89 : i32
      %ne3A_91 = arith.xori %lt3A_88, %lt3A_90 : i1
      %and3A_92 = arith.andi %ne3A_91, %ne3A_87 : i1
      %add3A_93 = arith.addi %rem3A_85, %select_n3A_84 : i32
      %select_n3A_94 = arith.select %and3A_92, %add3A_93, %rem3A_85 : i32
      %mul3A_95 = arith.constant 16 : i32
      %mul3A_96 = arith.muli %select_n3A_94, %mul3A_95 : i32
      %swap3A = arith.index_cast %select_n3A : i32 to index
      %swap3A_97 = arith.index_cast %mul3A_96 : i32 to index
      %swap3A_98 = tpu.vector_load %arg11[%swap3A, %swap3A_97] {strides = array<i32>} : memref<125x64xf32, #tpu.memory_space<vmem>>, vector<16xf32>,
      tpu.vector_store %arg11[%swap3A, %swap3A_97], %broadcast_in_dim3A_64 {strides = array<i32>} : memref<125x64xf32, #tpu.memory_space<vmem>>, vector<16xf32>,
      %scan3A_99 = arith.constant 0 : i32
      scf.yield %scan3A_99 : i32
    }
    %scan3A_5 = arith.constant 500 : i32
    %mul3A = arith.constant 625 : i32
    %mul3A_6 = arith.muli %arg1, %mul3A : i32
    %add3A = arith.constant 0 : i32
    %add3A_7 = arith.addi %mul3A_6, %add3A : i32
    "tpu.region"() ({
      %run_scoped3A = tpu.sem_alloc : memref<!tpu.dma_semaphore, #tpu.memory_space<semaphore_mem>>
      %dma_start3A = arith.constant 0 : i32
      %dma_start3A_62 = tpu.memref_slice %arg12[%add3A_7, %dma_start3A] : memref<10000x64xf32, #tpu.memory_space<vmem_shared>> -> memref<125x64xf32, #tpu.memory_space<vmem_shared>>
      %dma_start3A_63 = arith.constant 0 : i32
      %dma_start3A_64 = tpu.memref_slice %arg12[%add3A_7, %dma_start3A_63] : memref<10000x64xf32, #tpu.memory_space<vmem_shared>> -> memref<125x64xf32, #tpu.memory_space<vmem_shared>>
      tpu.enqueue_dma source(%arg11 : memref<125x64xf32, #tpu.memory_space<vmem>>) target(%dma_start3A_64 : memref<125x64xf32, #tpu.memory_space<vmem_shared>>) target_semaphore(%run_scoped3A : memref<!tpu.dma_semaphore, #tpu.memory_space<semaphore_mem>>)
      %dma_wait3A = arith.constant 0 : i32
      %dma_wait3A_65 = tpu.memref_slice %arg12[%add3A_7, %dma_wait3A] : memref<10000x64xf32, #tpu.memory_space<vmem_shared>> -> memref<125x64xf32, #tpu.memory_space<vmem_shared>>
      %dma_wait3A_66 = arith.constant 0 : i32
      %dma_wait3A_67 = tpu.memref_slice %arg12[%add3A_7, %dma_wait3A_66] : memref<10000x64xf32, #tpu.memory_space<vmem_shared>> -> memref<125x64xf32, #tpu.memory_space<vmem_shared>>
      tpu.wait_dma2 semaphore(%run_scoped3A : memref<!tpu.dma_semaphore, #tpu.memory_space<semaphore_mem>>) src(%arg11 : memref<125x64xf32, #tpu.memory_space<vmem>>) dst(%dma_wait3A_67 : memref<125x64xf32, #tpu.memory_space<vmem_shared>>)
      tpu.yield
    }) : () -> ()
    %mul3A_8 = arith.constant 625 : i32
    %mul3A_9 = arith.muli %arg1, %mul3A_8 : i32
    %add3A_10 = arith.constant 125 : i32
    %add3A_11 = arith.addi %mul3A_9, %add3A_10 : i32
    "tpu.region"() ({
      %run_scoped3A = tpu.sem_alloc : memref<!tpu.dma_semaphore, #tpu.memory_space<semaphore_mem>>
      %dma_start3A = arith.constant 0 : i32
      %dma_start3A_62 = tpu.memref_slice %arg12[%add3A_11, %dma_start3A] : memref<10000x64xf32, #tpu.memory_space<vmem_shared>> -> memref<125x64xf32, #tpu.memory_space<vmem_shared>>
      %dma_start3A_63 = arith.constant 0 : i32
      %dma_start3A_64 = tpu.memref_slice %arg12[%add3A_11, %dma_start3A_63] : memref<10000x64xf32, #tpu.memory_space<vmem_shared>> -> memref<125x64xf32, #tpu.memory_space<vmem_shared>>
      tpu.enqueue_dma source(%arg11 : memref<125x64xf32, #tpu.memory_space<vmem>>) target(%dma_start3A_64 : memref<125x64xf32, #tpu.memory_space<vmem_shared>>) target_semaphore(%run_scoped3A : memref<!tpu.dma_semaphore, #tpu.memory_space<semaphore_mem>>)
      %dma_wait3A = arith.constant 0 : i32
      %dma_wait3A_65 = tpu.memref_slice %arg12[%add3A_11, %dma_wait3A] : memref<10000x64xf32, #tpu.memory_space<vmem_shared>> -> memref<125x64xf32, #tpu.memory_space<vmem_shared>>
      %dma_wait3A_66 = arith.constant 0 : i32
      %dma_wait3A_67 = tpu.memref_slice %arg12[%add3A_11, %dma_wait3A_66] : memref<10000x64xf32, #tpu.memory_space<vmem_shared>> -> memref<125x64xf32, #tpu.memory_space<vmem_shared>>
      tpu.wait_dma2 semaphore(%run_scoped3A : memref<!tpu.dma_semaphore, #tpu.memory_space<semaphore_mem>>) src(%arg11 : memref<125x64xf32, #tpu.memory_space<vmem>>) dst(%dma_wait3A_67 : memref<125x64xf32, #tpu.memory_space<vmem_shared>>)
      tpu.yield
    }) : () -> ()
    %mul3A_12 = arith.constant 625 : i32
    %mul3A_13 = arith.muli %arg1, %mul3A_12 : i32
    %add3A_14 = arith.constant 250 : i32
    %add3A_15 = arith.addi %mul3A_13, %add3A_14 : i32
    "tpu.region"() ({
      %run_scoped3A = tpu.sem_alloc : memref<!tpu.dma_semaphore, #tpu.memory_space<semaphore_mem>>
      %dma_start3A = arith.constant 0 : i32
      %dma_start3A_62 = tpu.memref_slice %arg12[%add3A_15, %dma_start3A] : memref<10000x64xf32, #tpu.memory_space<vmem_shared>> -> memref<125x64xf32, #tpu.memory_space<vmem_shared>>
      %dma_start3A_63 = arith.constant 0 : i32
      %dma_start3A_64 = tpu.memref_slice %arg12[%add3A_15, %dma_start3A_63] : memref<10000x64xf32, #tpu.memory_space<vmem_shared>> -> memref<125x64xf32, #tpu.memory_space<vmem_shared>>
      tpu.enqueue_dma source(%arg11 : memref<125x64xf32, #tpu.memory_space<vmem>>) target(%dma_start3A_64 : memref<125x64xf32, #tpu.memory_space<vmem_shared>>) target_semaphore(%run_scoped3A : memref<!tpu.dma_semaphore, #tpu.memory_space<semaphore_mem>>)
      %dma_wait3A = arith.constant 0 : i32
      %dma_wait3A_65 = tpu.memref_slice %arg12[%add3A_15, %dma_wait3A] : memref<10000x64xf32, #tpu.memory_space<vmem_shared>> -> memref<125x64xf32, #tpu.memory_space<vmem_shared>>
      %dma_wait3A_66 = arith.constant 0 : i32
      %dma_wait3A_67 = tpu.memref_slice %arg12[%add3A_15, %dma_wait3A_66] : memref<10000x64xf32, #tpu.memory_space<vmem_shared>> -> memref<125x64xf32, #tpu.memory_space<vmem_shared>>
      tpu.wait_dma2 semaphore(%run_scoped3A : memref<!tpu.dma_semaphore, #tpu.memory_space<semaphore_mem>>) src(%arg11 : memref<125x64xf32, #tpu.memory_space<vmem>>) dst(%dma_wait3A_67 : memref<125x64xf32, #tpu.memory_space<vmem_shared>>)
      tpu.yield
    }) : () -> ()
    %mul3A_16 = arith.constant 625 : i32
    %mul3A_17 = arith.muli %arg1, %mul3A_16 : i32
    %add3A_18 = arith.constant 375 : i32
    %add3A_19 = arith.addi %mul3A_17, %add3A_18 : i32
    "tpu.region"() ({
      %run_scoped3A = tpu.sem_alloc : memref<!tpu.dma_semaphore, #tpu.memory_space<semaphore_mem>>
      %dma_start3A = arith.constant 0 : i32
      %dma_start3A_62 = tpu.memref_slice %arg12[%add3A_19, %dma_start3A] : memref<10000x64xf32, #tpu.memory_space<vmem_shared>> -> memref<125x64xf32, #tpu.memory_space<vmem_shared>>
      %dma_start3A_63 = arith.constant 0 : i32
      %dma_start3A_64 = tpu.memref_slice %arg12[%add3A_19, %dma_start3A_63] : memref<10000x64xf32, #tpu.memory_space<vmem_shared>> -> memref<125x64xf32, #tpu.memory_space<vmem_shared>>
      tpu.enqueue_dma source(%arg11 : memref<125x64xf32, #tpu.memory_space<vmem>>) target(%dma_start3A_64 : memref<125x64xf32, #tpu.memory_space<vmem_shared>>) target_semaphore(%run_scoped3A : memref<!tpu.dma_semaphore, #tpu.memory_space<semaphore_mem>>)
      %dma_wait3A = arith.constant 0 : i32
      %dma_wait3A_65 = tpu.memref_slice %arg12[%add3A_19, %dma_wait3A] : memref<10000x64xf32, #tpu.memory_space<vmem_shared>> -> memref<125x64xf32, #tpu.memory_space<vmem_shared>>
      %dma_wait3A_66 = arith.constant 0 : i32
      %dma_wait3A_67 = tpu.memref_slice %arg12[%add3A_19, %dma_wait3A_66] : memref<10000x64xf32, #tpu.memory_space<vmem_shared>> -> memref<125x64xf32, #tpu.memory_space<vmem_shared>>
      tpu.wait_dma2 semaphore(%run_scoped3A : memref<!tpu.dma_semaphore, #tpu.memory_space<semaphore_mem>>) src(%arg11 : memref<125x64xf32, #tpu.memory_space<vmem>>) dst(%dma_wait3A_67 : memref<125x64xf32, #tpu.memory_space<vmem_shared>>)
      tpu.yield
    }) : () -> ()
    %mul3A_20 = arith.constant 625 : i32
    %mul3A_21 = arith.muli %arg1, %mul3A_20 : i32
    %add3A_22 = arith.constant 500 : i32
    %add3A_23 = arith.addi %mul3A_21, %add3A_22 : i32
    "tpu.region"() ({
      %run_scoped3A = tpu.sem_alloc : memref<!tpu.dma_semaphore, #tpu.memory_space<semaphore_mem>>
      %dma_start3A = arith.constant 0 : i32
      %dma_start3A_62 = tpu.memref_slice %arg12[%add3A_23, %dma_start3A] : memref<10000x64xf32, #tpu.memory_space<vmem_shared>> -> memref<125x64xf32, #tpu.memory_space<vmem_shared>>
      %dma_start3A_63 = arith.constant 0 : i32
      %dma_start3A_64 = tpu.memref_slice %arg12[%add3A_23, %dma_start3A_63] : memref<10000x64xf32, #tpu.memory_space<vmem_shared>> -> memref<125x64xf32, #tpu.memory_space<vmem_shared>>
      tpu.enqueue_dma source(%arg11 : memref<125x64xf32, #tpu.memory_space<vmem>>) target(%dma_start3A_64 : memref<125x64xf32, #tpu.memory_space<vmem_shared>>) target_semaphore(%run_scoped3A : memref<!tpu.dma_semaphore, #tpu.memory_space<semaphore_mem>>)
      %dma_wait3A = arith.constant 0 : i32
      %dma_wait3A_65 = tpu.memref_slice %arg12[%add3A_23, %dma_wait3A] : memref<10000x64xf32, #tpu.memory_space<vmem_shared>> -> memref<125x64xf32, #tpu.memory_space<vmem_shared>>
      %dma_wait3A_66 = arith.constant 0 : i32
      %dma_wait3A_67 = tpu.memref_slice %arg12[%add3A_23, %dma_wait3A_66] : memref<10000x64xf32, #tpu.memory_space<vmem_shared>> -> memref<125x64xf32, #tpu.memory_space<vmem_shared>>
      tpu.wait_dma2 semaphore(%run_scoped3A : memref<!tpu.dma_semaphore, #tpu.memory_space<semaphore_mem>>) src(%arg11 : memref<125x64xf32, #tpu.memory_space<vmem>>) dst(%dma_wait3A_67 : memref<125x64xf32, #tpu.memory_space<vmem_shared>>)
      tpu.yield
    }) : () -> ()
    %barrier3A = arith.constant 0 : index
    tpu.barrier barrier_id(%barrier3A)
    %scan3A_24 = arith.constant 0 : i32
    %scan3A_25 = arith.constant 0 : i32
    %scan3A_26 = arith.constant 40 : i32
    %scan3A_27 = arith.addi %scan3A_25, %scan3A_26 : i32
    %scan3A_28 = arith.constant 1 : i32
    %scan3A_29 = scf.for %scan3A_62 = %scan3A_25 to %scan3A_27 step %scan3A_28 iter_args(%scan3A_63 = %scan3A_24) -> (i32)  : i32 {
      %mul3A_64 = arith.constant 25 : i32
      %mul3A_65 = arith.muli %scan3A_62, %mul3A_64 : i32
      "tpu.region"() ({
        %run_scoped3A = tpu.sem_alloc : memref<!tpu.dma_semaphore, #tpu.memory_space<semaphore_mem>>
        %dma_start3A = arith.constant 0 : i32
        %dma_start3A_78 = tpu.memref_slice %arg3[%arg1, %mul3A_65, %dma_start3A] : memref<16x1000x80xi32, #tpu.memory_space<hbm>> -> memref<1x25x80xi32, #tpu.memory_space<hbm>>
        %dma_start3A_79 = tpu.memref_squeeze %dma_start3A_78 : memref<1x25x80xi32, #tpu.memory_space<hbm>> -> memref<25x80xi32, #tpu.memory_space<hbm>>
        %dma_start3A_80 = arith.constant 0 : i32
        %dma_start3A_81 = tpu.memref_slice %arg3[%arg1, %mul3A_65, %dma_start3A_80] : memref<16x1000x80xi32, #tpu.memory_space<hbm>> -> memref<1x25x80xi32, #tpu.memory_space<hbm>>
        %dma_start3A_82 = tpu.memref_squeeze %dma_start3A_81 : memref<1x25x80xi32, #tpu.memory_space<hbm>> -> memref<25x80xi32, #tpu.memory_space<hbm>>
        tpu.enqueue_dma source(%dma_start3A_82 : memref<25x80xi32, #tpu.memory_space<hbm>>) target(%arg7 : memref<25x80xi32, #tpu.memory_space<vmem>>) target_semaphore(%run_scoped3A : memref<!tpu.dma_semaphore, #tpu.memory_space<semaphore_mem>>)
        %dma_wait3A = arith.constant 0 : i32
        %dma_wait3A_83 = tpu.memref_slice %arg3[%arg1, %mul3A_65, %dma_wait3A] : memref<16x1000x80xi32, #tpu.memory_space<hbm>> -> memref<1x25x80xi32, #tpu.memory_space<hbm>>
        %dma_wait3A_84 = tpu.memref_squeeze %dma_wait3A_83 : memref<1x25x80xi32, #tpu.memory_space<hbm>> -> memref<25x80xi32, #tpu.memory_space<hbm>>
        %dma_wait3A_85 = arith.constant 0 : i32
        %dma_wait3A_86 = tpu.memref_slice %arg3[%arg1, %mul3A_65, %dma_wait3A_85] : memref<16x1000x80xi32, #tpu.memory_space<hbm>> -> memref<1x25x80xi32, #tpu.memory_space<hbm>>
        %dma_wait3A_87 = tpu.memref_squeeze %dma_wait3A_86 : memref<1x25x80xi32, #tpu.memory_space<hbm>> -> memref<25x80xi32, #tpu.memory_space<hbm>>
        tpu.wait_dma2 semaphore(%run_scoped3A : memref<!tpu.dma_semaphore, #tpu.memory_space<semaphore_mem>>) src(%dma_wait3A_87 : memref<25x80xi32, #tpu.memory_space<hbm>>) dst(%arg7 : memref<25x80xi32, #tpu.memory_space<vmem>>)
        tpu.yield
      }) : () -> ()
      %mul3A_66 = arith.constant 25 : i32
      %mul3A_67 = arith.muli %scan3A_62, %mul3A_66 : i32
      "tpu.region"() ({
        %run_scoped3A = tpu.sem_alloc : memref<!tpu.dma_semaphore, #tpu.memory_space<semaphore_mem>>
        %dma_start3A = arith.constant 0 : i32
        %dma_start3A_78 = tpu.memref_slice %arg4[%arg0, %arg1, %mul3A_67, %dma_start3A] : memref<2x16x1000x80xi32, #tpu.memory_space<hbm>> -> memref<1x1x25x80xi32, #tpu.memory_space<hbm>>
        %dma_start3A_79 = tpu.memref_squeeze %dma_start3A_78 : memref<1x1x25x80xi32, #tpu.memory_space<hbm>> -> memref<25x80xi32, #tpu.memory_space<hbm>>
        %dma_start3A_80 = arith.constant 0 : i32
        %dma_start3A_81 = tpu.memref_slice %arg4[%arg0, %arg1, %mul3A_67, %dma_start3A_80] : memref<2x16x1000x80xi32, #tpu.memory_space<hbm>> -> memref<1x1x25x80xi32, #tpu.memory_space<hbm>>
        %dma_start3A_82 = tpu.memref_squeeze %dma_start3A_81 : memref<1x1x25x80xi32, #tpu.memory_space<hbm>> -> memref<25x80xi32, #tpu.memory_space<hbm>>
        tpu.enqueue_dma source(%dma_start3A_82 : memref<25x80xi32, #tpu.memory_space<hbm>>) target(%arg8 : memref<25x80xi32, #tpu.memory_space<vmem>>) target_semaphore(%run_scoped3A : memref<!tpu.dma_semaphore, #tpu.memory_space<semaphore_mem>>)
        %dma_wait3A = arith.constant 0 : i32
        %dma_wait3A_83 = tpu.memref_slice %arg4[%arg0, %arg1, %mul3A_67, %dma_wait3A] : memref<2x16x1000x80xi32, #tpu.memory_space<hbm>> -> memref<1x1x25x80xi32, #tpu.memory_space<hbm>>
        %dma_wait3A_84 = tpu.memref_squeeze %dma_wait3A_83 : memref<1x1x25x80xi32, #tpu.memory_space<hbm>> -> memref<25x80xi32, #tpu.memory_space<hbm>>
        %dma_wait3A_85 = arith.constant 0 : i32
        %dma_wait3A_86 = tpu.memref_slice %arg4[%arg0, %arg1, %mul3A_67, %dma_wait3A_85] : memref<2x16x1000x80xi32, #tpu.memory_space<hbm>> -> memref<1x1x25x80xi32, #tpu.memory_space<hbm>>
        %dma_wait3A_87 = tpu.memref_squeeze %dma_wait3A_86 : memref<1x1x25x80xi32, #tpu.memory_space<hbm>> -> memref<25x80xi32, #tpu.memory_space<hbm>>
        tpu.wait_dma2 semaphore(%run_scoped3A : memref<!tpu.dma_semaphore, #tpu.memory_space<semaphore_mem>>) src(%dma_wait3A_87 : memref<25x80xi32, #tpu.memory_space<hbm>>) dst(%arg8 : memref<25x80xi32, #tpu.memory_space<vmem>>)
        tpu.yield
      }) : () -> ()
      %mul3A_68 = arith.constant 25 : i32
      %mul3A_69 = arith.muli %scan3A_62, %mul3A_68 : i32
      "tpu.region"() ({
        %run_scoped3A = tpu.sem_alloc : memref<!tpu.dma_semaphore, #tpu.memory_space<semaphore_mem>>
        %dma_start3A = arith.constant 0 : i32
        %dma_start3A_78 = tpu.memref_slice %arg5[%arg1, %mul3A_69, %dma_start3A] : memref<16x1000x80xf32, #tpu.memory_space<hbm>> -> memref<1x25x80xf32, #tpu.memory_space<hbm>>
        %dma_start3A_79 = tpu.memref_squeeze %dma_start3A_78 : memref<1x25x80xf32, #tpu.memory_space<hbm>> -> memref<25x80xf32, #tpu.memory_space<hbm>>
        %dma_start3A_80 = arith.constant 0 : i32
        %dma_start3A_81 = tpu.memref_slice %arg5[%arg1, %mul3A_69, %dma_start3A_80] : memref<16x1000x80xf32, #tpu.memory_space<hbm>> -> memref<1x25x80xf32, #tpu.memory_space<hbm>>
        %dma_start3A_82 = tpu.memref_squeeze %dma_start3A_81 : memref<1x25x80xf32, #tpu.memory_space<hbm>> -> memref<25x80xf32, #tpu.memory_space<hbm>>
        tpu.enqueue_dma source(%dma_start3A_82 : memref<25x80xf32, #tpu.memory_space<hbm>>) target(%arg9 : memref<25x80xf32, #tpu.memory_space<vmem>>) target_semaphore(%run_scoped3A : memref<!tpu.dma_semaphore, #tpu.memory_space<semaphore_mem>>)
        %dma_wait3A = arith.constant 0 : i32
        %dma_wait3A_83 = tpu.memref_slice %arg5[%arg1, %mul3A_69, %dma_wait3A] : memref<16x1000x80xf32, #tpu.memory_space<hbm>> -> memref<1x25x80xf32, #tpu.memory_space<hbm>>
        %dma_wait3A_84 = tpu.memref_squeeze %dma_wait3A_83 : memref<1x25x80xf32, #tpu.memory_space<hbm>> -> memref<25x80xf32, #tpu.memory_space<hbm>>
        %dma_wait3A_85 = arith.constant 0 : i32
        %dma_wait3A_86 = tpu.memref_slice %arg5[%arg1, %mul3A_69, %dma_wait3A_85] : memref<16x1000x80xf32, #tpu.memory_space<hbm>> -> memref<1x25x80xf32, #tpu.memory_space<hbm>>
        %dma_wait3A_87 = tpu.memref_squeeze %dma_wait3A_86 : memref<1x25x80xf32, #tpu.memory_space<hbm>> -> memref<25x80xf32, #tpu.memory_space<hbm>>
        tpu.wait_dma2 semaphore(%run_scoped3A : memref<!tpu.dma_semaphore, #tpu.memory_space<semaphore_mem>>) src(%dma_wait3A_87 : memref<25x80xf32, #tpu.memory_space<hbm>>) dst(%arg9 : memref<25x80xf32, #tpu.memory_space<vmem>>)
        tpu.yield
      }) : () -> ()
      %scan3A_70 = arith.constant 0 : i32
      %scan3A_71 = arith.constant 0 : i32
      %scan3A_72 = arith.constant 25 : i32
      %scan3A_73 = arith.addi %scan3A_71, %scan3A_72 : i32
      %scan3A_74 = arith.constant 1 : i32
      %scan3A_75 = scf.for %scan3A_78 = %scan3A_71 to %scan3A_73 step %scan3A_74 iter_args(%scan3A_79 = %scan3A_70) -> (i32)  : i32 {
        %dma_start3A = arith.constant 0 : i32
        %dma_start3A_80 = tpu.memref_slice %arg8[%scan3A_78, %dma_start3A] : memref<25x80xi32, #tpu.memory_space<vmem>> -> memref<1x80xi32, #tpu.memory_space<vmem>>
        %dma_start3A_81 = tpu.memref_squeeze %dma_start3A_80 : memref<1x80xi32, #tpu.memory_space<vmem>> -> memref<80xi32, #tpu.memory_space<vmem>>
        %dma_start3A_82 = arith.constant 0 : i32
        %dma_start3A_83 = arith.constant 0 : i32
        %dma_start3A_84 = tpu.memref_slice %arg2[%dma_start3A_82, %dma_start3A_83] : memref<20000x64xf32, #tpu.memory_space<hbm>> -> memref<20000x64xf32, #tpu.memory_space<hbm>>
        tpu.enqueue_indirect_dma source(%dma_start3A_84 : memref<20000x64xf32, #tpu.memory_space<hbm>>) target(%arg10 : memref<80x64xf32, #tpu.memory_space<vmem>>) offsets(%dma_start3A_81 : memref<80xi32, #tpu.memory_space<vmem>>) semaphore(%arg13 : memref<!tpu.dma_semaphore, #tpu.memory_space<semaphore_mem>>)
        %dma_wait3A = arith.constant 0 : i32
        %dma_wait3A_85 = tpu.memref_slice %arg8[%scan3A_78, %dma_wait3A] : memref<25x80xi32, #tpu.memory_space<vmem>> -> memref<1x80xi32, #tpu.memory_space<vmem>>
        %dma_wait3A_86 = tpu.memref_squeeze %dma_wait3A_85 : memref<1x80xi32, #tpu.memory_space<vmem>> -> memref<80xi32, #tpu.memory_space<vmem>>
        %dma_wait3A_87 = arith.constant 0 : i32
        %dma_wait3A_88 = arith.constant 0 : i32
        %dma_wait3A_89 = tpu.memref_slice %arg2[%dma_wait3A_87, %dma_wait3A_88] : memref<20000x64xf32, #tpu.memory_space<hbm>> -> memref<20000x64xf32, #tpu.memory_space<hbm>>
        tpu.wait_indirect_dma semaphore(%arg13 : memref<!tpu.dma_semaphore, #tpu.memory_space<semaphore_mem>>) src(%dma_wait3A_89 : memref<20000x64xf32, #tpu.memory_space<hbm>>) dst(%arg10 : memref<80x64xf32, #tpu.memory_space<vmem>>)
        %scan3A_90 = arith.constant 0 : i32
        %scan3A_91 = arith.constant 0 : i32
        %scan3A_92 = arith.constant 80 : i32
        %scan3A_93 = arith.addi %scan3A_91, %scan3A_92 : i32
        %scan3A_94 = arith.constant 1 : i32
        %scan3A_95 = scf.for %scan3A_98 = %scan3A_91 to %scan3A_93 step %scan3A_94 iter_args(%scan3A_99 = %scan3A_90) -> (i32)  : i32 {
          %broadcast_in_dim3A = vector.broadcast %scan3A_78 : i32 to vector<16xi32>
          %broadcast_in_dim3A_100 = vector.broadcast %scan3A_98 : i32 to vector<16xi32>
          %gather3A = tpu.vector_load_idx %arg9[%broadcast_in_dim3A, %broadcast_in_dim3A_100] : memref<25x80xf32, #tpu.memory_space<vmem>>[vector<16xi32>, vector<16xi32>], vector<16xf32>,
          %get3A = arith.index_cast %scan3A_98 : i32 to index
          %get3A_101 = arith.constant 0 : index
          %get3A_102 = tpu.vector_load %arg10[%get3A, %get3A_101] {strides = array<i32>} : memref<80x64xf32, #tpu.memory_space<vmem>>, vector<16xf32>,
          %mul3A_103 = arith.mulf %get3A_102, %gather3A : vector<16xf32>
          %swap3A = arith.index_cast %scan3A_98 : i32 to index
          %swap3A_104 = arith.constant 0 : index
          %swap3A_105 = tpu.vector_load %arg10[%swap3A, %swap3A_104] {strides = array<i32>} : memref<80x64xf32, #tpu.memory_space<vmem>>, vector<16xf32>,
          tpu.vector_store %arg10[%swap3A, %swap3A_104], %mul3A_103 {strides = array<i32>} : memref<80x64xf32, #tpu.memory_space<vmem>>, vector<16xf32>,
          %get3A_106 = arith.index_cast %scan3A_98 : i32 to index
          %get3A_107 = arith.constant 16 : index
          %get3A_108 = tpu.vector_load %arg10[%get3A_106, %get3A_107] {strides = array<i32>} : memref<80x64xf32, #tpu.memory_space<vmem>>, vector<16xf32>,
          %mul3A_109 = arith.mulf %get3A_108, %gather3A : vector<16xf32>
          %swap3A_110 = arith.index_cast %scan3A_98 : i32 to index
          %swap3A_111 = arith.constant 16 : index
          %swap3A_112 = tpu.vector_load %arg10[%swap3A_110, %swap3A_111] {strides = array<i32>} : memref<80x64xf32, #tpu.memory_space<vmem>>, vector<16xf32>,
          tpu.vector_store %arg10[%swap3A_110, %swap3A_111], %mul3A_109 {strides = array<i32>} : memref<80x64xf32, #tpu.memory_space<vmem>>, vector<16xf32>,
          %get3A_113 = arith.index_cast %scan3A_98 : i32 to index
          %get3A_114 = arith.constant 32 : index
          %get3A_115 = tpu.vector_load %arg10[%get3A_113, %get3A_114] {strides = array<i32>} : memref<80x64xf32, #tpu.memory_space<vmem>>, vector<16xf32>,
          %mul3A_116 = arith.mulf %get3A_115, %gather3A : vector<16xf32>
          %swap3A_117 = arith.index_cast %scan3A_98 : i32 to index
          %swap3A_118 = arith.constant 32 : index
          %swap3A_119 = tpu.vector_load %arg10[%swap3A_117, %swap3A_118] {strides = array<i32>} : memref<80x64xf32, #tpu.memory_space<vmem>>, vector<16xf32>,
          tpu.vector_store %arg10[%swap3A_117, %swap3A_118], %mul3A_116 {strides = array<i32>} : memref<80x64xf32, #tpu.memory_space<vmem>>, vector<16xf32>,
          %get3A_120 = arith.index_cast %scan3A_98 : i32 to index
          %get3A_121 = arith.constant 48 : index
          %get3A_122 = tpu.vector_load %arg10[%get3A_120, %get3A_121] {strides = array<i32>} : memref<80x64xf32, #tpu.memory_space<vmem>>, vector<16xf32>,
          %mul3A_123 = arith.mulf %get3A_122, %gather3A : vector<16xf32>
          %swap3A_124 = arith.index_cast %scan3A_98 : i32 to index
          %swap3A_125 = arith.constant 48 : index
          %swap3A_126 = tpu.vector_load %arg10[%swap3A_124, %swap3A_125] {strides = array<i32>} : memref<80x64xf32, #tpu.memory_space<vmem>>, vector<16xf32>,
          tpu.vector_store %arg10[%swap3A_124, %swap3A_125], %mul3A_123 {strides = array<i32>} : memref<80x64xf32, #tpu.memory_space<vmem>>, vector<16xf32>,
          %scan3A_127 = arith.constant 0 : i32
          scf.yield %scan3A_127 : i32
        }
        %scan3A_96 = arith.constant 80 : i32
        "tpu.region"() ({
          %run_scoped3A = tpu.sem_alloc : memref<!tpu.dma_semaphore, #tpu.memory_space<semaphore_mem>>
          %dma_start3A_98 = arith.constant 0 : i32
          %dma_start3A_99 = tpu.memref_slice %arg7[%scan3A_78, %dma_start3A_98] : memref<25x80xi32, #tpu.memory_space<vmem>> -> memref<1x80xi32, #tpu.memory_space<vmem>>
          %dma_start3A_100 = tpu.memref_squeeze %dma_start3A_99 : memref<1x80xi32, #tpu.memory_space<vmem>> -> memref<80xi32, #tpu.memory_space<vmem>>
          %dma_start3A_101 = arith.constant 0 : i32
          %dma_start3A_102 = arith.constant 0 : i32
          %dma_start3A_103 = tpu.memref_slice %arg12[%dma_start3A_101, %dma_start3A_102] : memref<10000x64xf32, #tpu.memory_space<vmem_shared>> -> memref<10000x64xf32, #tpu.memory_space<vmem_shared>>
          tpu.enqueue_indirect_dma source(%arg10 : memref<80x64xf32, #tpu.memory_space<vmem>>) target(%dma_start3A_103 : memref<10000x64xf32, #tpu.memory_space<vmem_shared>>) offsets(%dma_start3A_100 : memref<80xi32, #tpu.memory_space<vmem>>) semaphore(%run_scoped3A : memref<!tpu.dma_semaphore, #tpu.memory_space<semaphore_mem>>) {add = true}
          %dma_wait3A_104 = arith.constant 0 : i32
          %dma_wait3A_105 = tpu.memref_slice %arg7[%scan3A_78, %dma_wait3A_104] : memref<25x80xi32, #tpu.memory_space<vmem>> -> memref<1x80xi32, #tpu.memory_space<vmem>>
          %dma_wait3A_106 = tpu.memref_squeeze %dma_wait3A_105 : memref<1x80xi32, #tpu.memory_space<vmem>> -> memref<80xi32, #tpu.memory_space<vmem>>
          %dma_wait3A_107 = arith.constant 0 : i32
          %dma_wait3A_108 = arith.constant 0 : i32
          %dma_wait3A_109 = tpu.memref_slice %arg12[%dma_wait3A_107, %dma_wait3A_108] : memref<10000x64xf32, #tpu.memory_space<vmem_shared>> -> memref<10000x64xf32, #tpu.memory_space<vmem_shared>>
          tpu.wait_indirect_dma semaphore(%run_scoped3A : memref<!tpu.dma_semaphore, #tpu.memory_space<semaphore_mem>>) src(%arg10 : memref<80x64xf32, #tpu.memory_space<vmem>>) dst(%dma_wait3A_109 : memref<10000x64xf32, #tpu.memory_space<vmem_shared>>)
          tpu.yield
        }) : () -> ()
        %scan3A_97 = arith.constant 0 : i32
        scf.yield %scan3A_97 : i32
      }
      %scan3A_76 = arith.constant 25 : i32
      %scan3A_77 = arith.constant 0 : i32
      scf.yield %scan3A_77 : i32
    }
    %scan3A_30 = arith.constant 40 : i32
    %barrier3A_31 = arith.constant 0 : index
    tpu.barrier barrier_id(%barrier3A_31)
    %mul3A_32 = arith.constant 625 : i32
    %mul3A_33 = arith.muli %arg1, %mul3A_32 : i32
    %add3A_34 = arith.constant 0 : i32
    %add3A_35 = arith.addi %mul3A_33, %add3A_34 : i32
    %mul3A_36 = arith.constant 64 : i32
    %mul3A_37 = arith.muli %arg0, %mul3A_36 : i32
    "tpu.region"() ({
      %run_scoped3A = tpu.sem_alloc : memref<!tpu.dma_semaphore, #tpu.memory_space<semaphore_mem>>
      %dma_start3A = tpu.memref_slice %arg6[%add3A_35, %mul3A_37] : memref<10000x128xf32, #tpu.memory_space<hbm>> -> memref<125x64xf32, #tpu.memory_space<hbm>>
      %dma_start3A_62 = arith.constant 0 : i32
      %dma_start3A_63 = tpu.memref_slice %arg12[%add3A_35, %dma_start3A_62] : memref<10000x64xf32, #tpu.memory_space<vmem_shared>> -> memref<125x64xf32, #tpu.memory_space<vmem_shared>>
      tpu.enqueue_dma source(%dma_start3A_63 : memref<125x64xf32, #tpu.memory_space<vmem_shared>>) target(%dma_start3A : memref<125x64xf32, #tpu.memory_space<hbm>>) target_semaphore(%run_scoped3A : memref<!tpu.dma_semaphore, #tpu.memory_space<semaphore_mem>>)
      %dma_wait3A = tpu.memref_slice %arg6[%add3A_35, %mul3A_37] : memref<10000x128xf32, #tpu.memory_space<hbm>> -> memref<125x64xf32, #tpu.memory_space<hbm>>
      %dma_wait3A_64 = arith.constant 0 : i32
      %dma_wait3A_65 = tpu.memref_slice %arg12[%add3A_35, %dma_wait3A_64] : memref<10000x64xf32, #tpu.memory_space<vmem_shared>> -> memref<125x64xf32, #tpu.memory_space<vmem_shared>>
      tpu.wait_dma2 semaphore(%run_scoped3A : memref<!tpu.dma_semaphore, #tpu.memory_space<semaphore_mem>>) src(%dma_wait3A_65 : memref<125x64xf32, #tpu.memory_space<vmem_shared>>) dst(%dma_wait3A : memref<125x64xf32, #tpu.memory_space<hbm>>)
      tpu.yield
    }) : () -> ()
    %mul3A_38 = arith.constant 625 : i32
    %mul3A_39 = arith.muli %arg1, %mul3A_38 : i32
    %add3A_40 = arith.constant 125 : i32
    %add3A_41 = arith.addi %mul3A_39, %add3A_40 : i32
    %mul3A_42 = arith.constant 64 : i32
    %mul3A_43 = arith.muli %arg0, %mul3A_42 : i32
    "tpu.region"() ({
      %run_scoped3A = tpu.sem_alloc : memref<!tpu.dma_semaphore, #tpu.memory_space<semaphore_mem>>
      %dma_start3A = tpu.memref_slice %arg6[%add3A_41, %mul3A_43] : memref<10000x128xf32, #tpu.memory_space<hbm>> -> memref<125x64xf32, #tpu.memory_space<hbm>>
      %dma_start3A_62 = arith.constant 0 : i32
      %dma_start3A_63 = tpu.memref_slice %arg12[%add3A_41, %dma_start3A_62] : memref<10000x64xf32, #tpu.memory_space<vmem_shared>> -> memref<125x64xf32, #tpu.memory_space<vmem_shared>>
      tpu.enqueue_dma source(%dma_start3A_63 : memref<125x64xf32, #tpu.memory_space<vmem_shared>>) target(%dma_start3A : memref<125x64xf32, #tpu.memory_space<hbm>>) target_semaphore(%run_scoped3A : memref<!tpu.dma_semaphore, #tpu.memory_space<semaphore_mem>>)
      %dma_wait3A = tpu.memref_slice %arg6[%add3A_41, %mul3A_43] : memref<10000x128xf32, #tpu.memory_space<hbm>> -> memref<125x64xf32, #tpu.memory_space<hbm>>
      %dma_wait3A_64 = arith.constant 0 : i32
      %dma_wait3A_65 = tpu.memref_slice %arg12[%add3A_41, %dma_wait3A_64] : memref<10000x64xf32, #tpu.memory_space<vmem_shared>> -> memref<125x64xf32, #tpu.memory_space<vmem_shared>>
      tpu.wait_dma2 semaphore(%run_scoped3A : memref<!tpu.dma_semaphore, #tpu.memory_space<semaphore_mem>>) src(%dma_wait3A_65 : memref<125x64xf32, #tpu.memory_space<vmem_shared>>) dst(%dma_wait3A : memref<125x64xf32, #tpu.memory_space<hbm>>)
      tpu.yield
    }) : () -> ()
    %mul3A_44 = arith.constant 625 : i32
    %mul3A_45 = arith.muli %arg1, %mul3A_44 : i32
    %add3A_46 = arith.constant 250 : i32
    %add3A_47 = arith.addi %mul3A_45, %add3A_46 : i32
    %mul3A_48 = arith.constant 64 : i32
    %mul3A_49 = arith.muli %arg0, %mul3A_48 : i32
    "tpu.region"() ({
      %run_scoped3A = tpu.sem_alloc : memref<!tpu.dma_semaphore, #tpu.memory_space<semaphore_mem>>
      %dma_start3A = tpu.memref_slice %arg6[%add3A_47, %mul3A_49] : memref<10000x128xf32, #tpu.memory_space<hbm>> -> memref<125x64xf32, #tpu.memory_space<hbm>>
      %dma_start3A_62 = arith.constant 0 : i32
      %dma_start3A_63 = tpu.memref_slice %arg12[%add3A_47, %dma_start3A_62] : memref<10000x64xf32, #tpu.memory_space<vmem_shared>> -> memref<125x64xf32, #tpu.memory_space<vmem_shared>>
      tpu.enqueue_dma source(%dma_start3A_63 : memref<125x64xf32, #tpu.memory_space<vmem_shared>>) target(%dma_start3A : memref<125x64xf32, #tpu.memory_space<hbm>>) target_semaphore(%run_scoped3A : memref<!tpu.dma_semaphore, #tpu.memory_space<semaphore_mem>>)
      %dma_wait3A = tpu.memref_slice %arg6[%add3A_47, %mul3A_49] : memref<10000x128xf32, #tpu.memory_space<hbm>> -> memref<125x64xf32, #tpu.memory_space<hbm>>
      %dma_wait3A_64 = arith.constant 0 : i32
      %dma_wait3A_65 = tpu.memref_slice %arg12[%add3A_47, %dma_wait3A_64] : memref<10000x64xf32, #tpu.memory_space<vmem_shared>> -> memref<125x64xf32, #tpu.memory_space<vmem_shared>>
      tpu.wait_dma2 semaphore(%run_scoped3A : memref<!tpu.dma_semaphore, #tpu.memory_space<semaphore_mem>>) src(%dma_wait3A_65 : memref<125x64xf32, #tpu.memory_space<vmem_shared>>) dst(%dma_wait3A : memref<125x64xf32, #tpu.memory_space<hbm>>)
      tpu.yield
    }) : () -> ()
    %mul3A_50 = arith.constant 625 : i32
    %mul3A_51 = arith.muli %arg1, %mul3A_50 : i32
    %add3A_52 = arith.constant 375 : i32
    %add3A_53 = arith.addi %mul3A_51, %add3A_52 : i32
    %mul3A_54 = arith.constant 64 : i32
    %mul3A_55 = arith.muli %arg0, %mul3A_54 : i32
    "tpu.region"() ({
      %run_scoped3A = tpu.sem_alloc : memref<!tpu.dma_semaphore, #tpu.memory_space<semaphore_mem>>
      %dma_start3A = tpu.memref_slice %arg6[%add3A_53, %mul3A_55] : memref<10000x128xf32, #tpu.memory_space<hbm>> -> memref<125x64xf32, #tpu.memory_space<hbm>>
      %dma_start3A_62 = arith.constant 0 : i32
      %dma_start3A_63 = tpu.memref_slice %arg12[%add3A_53, %dma_start3A_62] : memref<10000x64xf32, #tpu.memory_space<vmem_shared>> -> memref<125x64xf32, #tpu.memory_space<vmem_shared>>
      tpu.enqueue_dma source(%dma_start3A_63 : memref<125x64xf32, #tpu.memory_space<vmem_shared>>) target(%dma_start3A : memref<125x64xf32, #tpu.memory_space<hbm>>) target_semaphore(%run_scoped3A : memref<!tpu.dma_semaphore, #tpu.memory_space<semaphore_mem>>)
      %dma_wait3A = tpu.memref_slice %arg6[%add3A_53, %mul3A_55] : memref<10000x128xf32, #tpu.memory_space<hbm>> -> memref<125x64xf32, #tpu.memory_space<hbm>>
      %dma_wait3A_64 = arith.constant 0 : i32
      %dma_wait3A_65 = tpu.memref_slice %arg12[%add3A_53, %dma_wait3A_64] : memref<10000x64xf32, #tpu.memory_space<vmem_shared>> -> memref<125x64xf32, #tpu.memory_space<vmem_shared>>
      tpu.wait_dma2 semaphore(%run_scoped3A : memref<!tpu.dma_semaphore, #tpu.memory_space<semaphore_mem>>) src(%dma_wait3A_65 : memref<125x64xf32, #tpu.memory_space<vmem_shared>>) dst(%dma_wait3A : memref<125x64xf32, #tpu.memory_space<hbm>>)
      tpu.yield
    }) : () -> ()
    %mul3A_56 = arith.constant 625 : i32
    %mul3A_57 = arith.muli %arg1, %mul3A_56 : i32
    %add3A_58 = arith.constant 500 : i32
    %add3A_59 = arith.addi %mul3A_57, %add3A_58 : i32
    %mul3A_60 = arith.constant 64 : i32
    %mul3A_61 = arith.muli %arg0, %mul3A_60 : i32
    "tpu.region"() ({
      %run_scoped3A = tpu.sem_alloc : memref<!tpu.dma_semaphore, #tpu.memory_space<semaphore_mem>>
      %dma_start3A = tpu.memref_slice %arg6[%add3A_59, %mul3A_61] : memref<10000x128xf32, #tpu.memory_space<hbm>> -> memref<125x64xf32, #tpu.memory_space<hbm>>
      %dma_start3A_62 = arith.constant 0 : i32
      %dma_start3A_63 = tpu.memref_slice %arg12[%add3A_59, %dma_start3A_62] : memref<10000x64xf32, #tpu.memory_space<vmem_shared>> -> memref<125x64xf32, #tpu.memory_space<vmem_shared>>
      tpu.enqueue_dma source(%dma_start3A_63 : memref<125x64xf32, #tpu.memory_space<vmem_shared>>) target(%dma_start3A : memref<125x64xf32, #tpu.memory_space<hbm>>) target_semaphore(%run_scoped3A : memref<!tpu.dma_semaphore, #tpu.memory_space<semaphore_mem>>)
      %dma_wait3A = tpu.memref_slice %arg6[%add3A_59, %mul3A_61] : memref<10000x128xf32, #tpu.memory_space<hbm>> -> memref<125x64xf32, #tpu.memory_space<hbm>>
      %dma_wait3A_64 = arith.constant 0 : i32
      %dma_wait3A_65 = tpu.memref_slice %arg12[%add3A_59, %dma_wait3A_64] : memref<10000x64xf32, #tpu.memory_space<vmem_shared>> -> memref<125x64xf32, #tpu.memory_space<vmem_shared>>
      tpu.wait_dma2 semaphore(%run_scoped3A : memref<!tpu.dma_semaphore, #tpu.memory_space<semaphore_mem>>) src(%dma_wait3A_65 : memref<125x64xf32, #tpu.memory_space<vmem_shared>>) dst(%dma_wait3A : memref<125x64xf32, #tpu.memory_space<hbm>>)
      tpu.yield
    }) : () -> ()
    return
  }
}

module attributes {stable_mosaic.version = 14 : i64} {
  func.func @_hyper_body(%arg0: memref<1250x128xf32, #tpu.memory_space<vmem>>, %arg1: memref<1250x128xf32, #tpu.memory_space<vmem>>, %arg2: memref<1250x128xf32, #tpu.memory_space<vmem>>, %arg3: memref<1250x128xf32, #tpu.memory_space<vmem>>, %arg4: memref<4x1250x128xi32, #tpu.memory_space<vmem>>, %arg5: memref<4x1250x128xi32, #tpu.memory_space<vmem>>, %arg6: memref<8x1250x128xi32, #tpu.memory_space<vmem>>, %arg7: memref<8x1250x128xi32, #tpu.memory_space<vmem>>, %arg8: memref<8x1250x128xf32, #tpu.memory_space<vmem>>) attributes {dimension_semantics = [], scalar_prefetch = 0 : i64, scratch_operands = 0 : i64, tpu.core_type = #tpu.core_type<tc>} {
    %get3A = arith.constant 0 : index
    %get3A_0 = arith.constant 0 : index
    %get3A_1 = vector.load %arg0[%get3A, %get3A_0] : memref<1250x128xf32, #tpu.memory_space<vmem>>, vector<1250x128xf32>
    %get3A_2 = arith.constant 0 : index
    %get3A_3 = arith.constant 0 : index
    %get3A_4 = vector.load %arg1[%get3A_2, %get3A_3] : memref<1250x128xf32, #tpu.memory_space<vmem>>, vector<1250x128xf32>
    %logistic3A = arith.negf %get3A_1 : vector<1250x128xf32>
    %logistic3A_5 = math.exp %logistic3A : vector<1250x128xf32>
    %logistic3A_6 = arith.constant 1.000000e+00 : f32
    %logistic3A_7 = vector.broadcast %logistic3A_6 : f32 to vector<1250x128xf32>
    %logistic3A_8 = arith.addf %logistic3A_7, %logistic3A_5 : vector<1250x128xf32>
    %logistic3A_9 = arith.divf %logistic3A_7, %logistic3A_8 : vector<1250x128xf32>
    %mul3A = arith.constant 9.999000e+03 : f32
    %mul3A_10 = vector.broadcast %mul3A : f32 to vector<1250x128xf32>
    %mul3A_11 = arith.mulf %logistic3A_9, %mul3A_10 : vector<1250x128xf32>
    %logistic3A_12 = arith.negf %get3A_4 : vector<1250x128xf32>
    %logistic3A_13 = math.exp %logistic3A_12 : vector<1250x128xf32>
    %logistic3A_14 = arith.constant 1.000000e+00 : f32
    %logistic3A_15 = vector.broadcast %logistic3A_14 : f32 to vector<1250x128xf32>
    %logistic3A_16 = arith.addf %logistic3A_15, %logistic3A_13 : vector<1250x128xf32>
    %logistic3A_17 = arith.divf %logistic3A_15, %logistic3A_16 : vector<1250x128xf32>
    %mul3A_18 = arith.constant 9.999000e+03 : f32
    %mul3A_19 = vector.broadcast %mul3A_18 : f32 to vector<1250x128xf32>
    %mul3A_20 = arith.mulf %logistic3A_17, %mul3A_19 : vector<1250x128xf32>
    %get3A_21 = arith.constant 0 : index
    %get3A_22 = arith.constant 0 : index
    %get3A_23 = vector.load %arg2[%get3A_21, %get3A_22] : memref<1250x128xf32, #tpu.memory_space<vmem>>, vector<1250x128xf32>
    %add3A = arith.constant 2.000000e+00 : f32
    %add3A_24 = vector.broadcast %add3A : f32 to vector<1250x128xf32>
    %add3A_25 = arith.addf %get3A_23, %add3A_24 : vector<1250x128xf32>
    %custom_jvp_call3A = arith.constant 0.000000e+00 : f32
    %max3A = vector.broadcast %custom_jvp_call3A : f32 to vector<1250x128xf32>
    %max3A_26 = arith.maximumf %add3A_25, %max3A : vector<1250x128xf32>
    %sub3A = vector.broadcast %custom_jvp_call3A : f32 to vector<1250x128xf32>
    %sub3A_27 = arith.subf %add3A_25, %sub3A : vector<1250x128xf32>
    %ne3A = arith.cmpf one, %sub3A_27, %sub3A_27 : vector<1250x128xf32>
    %add3A_28 = vector.broadcast %custom_jvp_call3A : f32 to vector<1250x128xf32>
    %add3A_29 = arith.addf %add3A_25, %add3A_28 : vector<1250x128xf32>
    %abs3A = math.absf %sub3A_27 : vector<1250x128xf32>
    %neg3A = arith.constant 0.000000e+00 : f32
    %neg3A_30 = vector.broadcast %neg3A : f32 to vector<1250x128xf32>
    %neg3A_31 = arith.subf %neg3A_30, %abs3A : vector<1250x128xf32>
    %exp3A = math.exp %neg3A_31 : vector<1250x128xf32>
    %log1p3A = math.log1p %exp3A : vector<1250x128xf32>
    %add3A_32 = arith.addf %max3A_26, %log1p3A : vector<1250x128xf32>
    %select_n3A = arith.select %ne3A, %add3A_29, %add3A_32 : vector<1250x128xi1>, vector<1250x128xf32>
    %add3A_33 = arith.constant 9.99999997E-7 : f32
    %add3A_34 = vector.broadcast %add3A_33 : f32 to vector<1250x128xf32>
    %add3A_35 = arith.addf %select_n3A, %add3A_34 : vector<1250x128xf32>
    %mul3A_36 = arith.constant 2.000000e+03 : f32
    %mul3A_37 = vector.broadcast %mul3A_36 : f32 to vector<1250x128xf32>
    %mul3A_38 = arith.mulf %add3A_35, %mul3A_37 : vector<1250x128xf32>
    %mul3A_39 = arith.constant 2.000000e+03 : f32
    %mul3A_40 = vector.broadcast %mul3A_39 : f32 to vector<1250x128xf32>
    %mul3A_41 = arith.mulf %add3A_35, %mul3A_40 : vector<1250x128xf32>
    %get3A_42 = arith.constant 0 : index
    %get3A_43 = arith.constant 0 : index
    %get3A_44 = vector.load %arg3[%get3A_42, %get3A_43] : memref<1250x128xf32, #tpu.memory_space<vmem>>, vector<1250x128xf32>
    %floor3A = math.floor %mul3A_11 : vector<1250x128xf32>
    %ceil3A = math.ceil %mul3A_11 : vector<1250x128xf32>
    %floor3A_45 = math.floor %mul3A_20 : vector<1250x128xf32>
    %ceil3A_46 = math.ceil %mul3A_20 : vector<1250x128xf32>
    %get3A_47 = arith.constant 0 : index
    %get3A_48 = arith.constant 0 : index
    %get3A_49 = arith.constant 0 : index
    %get3A_50 = vector.load %arg4[%get3A_47, %get3A_48, %get3A_49] : memref<4x1250x128xi32, #tpu.memory_space<vmem>>, vector<1x1250x128xi32>
    %get3A_51 = vector.shape_cast %get3A_50 : vector<1x1250x128xi32> to vector<1250x128xi32>
    %convert_element_type3A = arith.sitofp %get3A_51 : vector<1250x128xi32> to vector<1250x128xf32>
    %get3A_52 = arith.constant 1 : index
    %get3A_53 = arith.constant 0 : index
    %get3A_54 = arith.constant 0 : index
    %get3A_55 = vector.load %arg4[%get3A_52, %get3A_53, %get3A_54] : memref<4x1250x128xi32, #tpu.memory_space<vmem>>, vector<1x1250x128xi32>
    %get3A_56 = vector.shape_cast %get3A_55 : vector<1x1250x128xi32> to vector<1250x128xi32>
    %convert_element_type3A_57 = arith.sitofp %get3A_56 : vector<1250x128xi32> to vector<1250x128xf32>
    %get3A_58 = arith.constant 2 : index
    %get3A_59 = arith.constant 0 : index
    %get3A_60 = arith.constant 0 : index
    %get3A_61 = vector.load %arg4[%get3A_58, %get3A_59, %get3A_60] : memref<4x1250x128xi32, #tpu.memory_space<vmem>>, vector<1x1250x128xi32>
    %get3A_62 = vector.shape_cast %get3A_61 : vector<1x1250x128xi32> to vector<1250x128xi32>
    %convert_element_type3A_63 = arith.sitofp %get3A_62 : vector<1250x128xi32> to vector<1250x128xf32>
    %get3A_64 = arith.constant 3 : index
    %get3A_65 = arith.constant 0 : index
    %get3A_66 = arith.constant 0 : index
    %get3A_67 = vector.load %arg4[%get3A_64, %get3A_65, %get3A_66] : memref<4x1250x128xi32, #tpu.memory_space<vmem>>, vector<1x1250x128xi32>
    %get3A_68 = vector.shape_cast %get3A_67 : vector<1x1250x128xi32> to vector<1250x128xi32>
    %convert_element_type3A_69 = arith.sitofp %get3A_68 : vector<1250x128xi32> to vector<1250x128xf32>
    %get3A_70 = arith.constant 0 : index
    %get3A_71 = arith.constant 0 : index
    %get3A_72 = arith.constant 0 : index
    %get3A_73 = vector.load %arg5[%get3A_70, %get3A_71, %get3A_72] : memref<4x1250x128xi32, #tpu.memory_space<vmem>>, vector<1x1250x128xi32>
    %get3A_74 = vector.shape_cast %get3A_73 : vector<1x1250x128xi32> to vector<1250x128xi32>
    %convert_element_type3A_75 = arith.sitofp %get3A_74 : vector<1250x128xi32> to vector<1250x128xf32>
    %get3A_76 = arith.constant 1 : index
    %get3A_77 = arith.constant 0 : index
    %get3A_78 = arith.constant 0 : index
    %get3A_79 = vector.load %arg5[%get3A_76, %get3A_77, %get3A_78] : memref<4x1250x128xi32, #tpu.memory_space<vmem>>, vector<1x1250x128xi32>
    %get3A_80 = vector.shape_cast %get3A_79 : vector<1x1250x128xi32> to vector<1250x128xi32>
    %convert_element_type3A_81 = arith.sitofp %get3A_80 : vector<1250x128xi32> to vector<1250x128xf32>
    %get3A_82 = arith.constant 2 : index
    %get3A_83 = arith.constant 0 : index
    %get3A_84 = arith.constant 0 : index
    %get3A_85 = vector.load %arg5[%get3A_82, %get3A_83, %get3A_84] : memref<4x1250x128xi32, #tpu.memory_space<vmem>>, vector<1x1250x128xi32>
    %get3A_86 = vector.shape_cast %get3A_85 : vector<1x1250x128xi32> to vector<1250x128xi32>
    %convert_element_type3A_87 = arith.sitofp %get3A_86 : vector<1250x128xi32> to vector<1250x128xf32>
    %get3A_88 = arith.constant 3 : index
    %get3A_89 = arith.constant 0 : index
    %get3A_90 = arith.constant 0 : index
    %get3A_91 = vector.load %arg5[%get3A_88, %get3A_89, %get3A_90] : memref<4x1250x128xi32, #tpu.memory_space<vmem>>, vector<1x1250x128xi32>
    %get3A_92 = vector.shape_cast %get3A_91 : vector<1x1250x128xi32> to vector<1250x128xi32>
    %convert_element_type3A_93 = arith.sitofp %get3A_92 : vector<1250x128xi32> to vector<1250x128xf32>
    %sub3A_94 = arith.subf %floor3A, %mul3A_11 : vector<1250x128xf32>
    %div3A = arith.divf %sub3A_94, %mul3A_38 : vector<1250x128xf32>
    %sub3A_95 = arith.subf %floor3A_45, %mul3A_20 : vector<1250x128xf32>
    %div3A_96 = arith.divf %sub3A_95, %mul3A_41 : vector<1250x128xf32>
    %mul3A_97 = arith.mulf %div3A, %div3A : vector<1250x128xf32>
    %mul3A_98 = arith.mulf %div3A_96, %div3A_96 : vector<1250x128xf32>
    %add3A_99 = arith.addf %mul3A_97, %mul3A_98 : vector<1250x128xf32>
    %mul3A_100 = arith.constant -5.000000e-01 : f32
    %mul3A_101 = vector.broadcast %mul3A_100 : f32 to vector<1250x128xf32>
    %mul3A_102 = arith.mulf %mul3A_101, %add3A_99 : vector<1250x128xf32>
    %exp3A_103 = math.exp %mul3A_102 : vector<1250x128xf32>
    %sub3A_104 = arith.subf %floor3A, %mul3A_11 : vector<1250x128xf32>
    %div3A_105 = arith.divf %sub3A_104, %mul3A_38 : vector<1250x128xf32>
    %sub3A_106 = arith.subf %ceil3A_46, %mul3A_20 : vector<1250x128xf32>
    %div3A_107 = arith.divf %sub3A_106, %mul3A_41 : vector<1250x128xf32>
    %mul3A_108 = arith.mulf %div3A_105, %div3A_105 : vector<1250x128xf32>
    %mul3A_109 = arith.mulf %div3A_107, %div3A_107 : vector<1250x128xf32>
    %add3A_110 = arith.addf %mul3A_108, %mul3A_109 : vector<1250x128xf32>
    %mul3A_111 = arith.constant -5.000000e-01 : f32
    %mul3A_112 = vector.broadcast %mul3A_111 : f32 to vector<1250x128xf32>
    %mul3A_113 = arith.mulf %mul3A_112, %add3A_110 : vector<1250x128xf32>
    %exp3A_114 = math.exp %mul3A_113 : vector<1250x128xf32>
    %sub3A_115 = arith.subf %ceil3A, %mul3A_11 : vector<1250x128xf32>
    %div3A_116 = arith.divf %sub3A_115, %mul3A_38 : vector<1250x128xf32>
    %sub3A_117 = arith.subf %floor3A_45, %mul3A_20 : vector<1250x128xf32>
    %div3A_118 = arith.divf %sub3A_117, %mul3A_41 : vector<1250x128xf32>
    %mul3A_119 = arith.mulf %div3A_116, %div3A_116 : vector<1250x128xf32>
    %mul3A_120 = arith.mulf %div3A_118, %div3A_118 : vector<1250x128xf32>
    %add3A_121 = arith.addf %mul3A_119, %mul3A_120 : vector<1250x128xf32>
    %mul3A_122 = arith.constant -5.000000e-01 : f32
    %mul3A_123 = vector.broadcast %mul3A_122 : f32 to vector<1250x128xf32>
    %mul3A_124 = arith.mulf %mul3A_123, %add3A_121 : vector<1250x128xf32>
    %exp3A_125 = math.exp %mul3A_124 : vector<1250x128xf32>
    %sub3A_126 = arith.subf %ceil3A, %mul3A_11 : vector<1250x128xf32>
    %div3A_127 = arith.divf %sub3A_126, %mul3A_38 : vector<1250x128xf32>
    %sub3A_128 = arith.subf %ceil3A_46, %mul3A_20 : vector<1250x128xf32>
    %div3A_129 = arith.divf %sub3A_128, %mul3A_41 : vector<1250x128xf32>
    %mul3A_130 = arith.mulf %div3A_127, %div3A_127 : vector<1250x128xf32>
    %mul3A_131 = arith.mulf %div3A_129, %div3A_129 : vector<1250x128xf32>
    %add3A_132 = arith.addf %mul3A_130, %mul3A_131 : vector<1250x128xf32>
    %mul3A_133 = arith.constant -5.000000e-01 : f32
    %mul3A_134 = vector.broadcast %mul3A_133 : f32 to vector<1250x128xf32>
    %mul3A_135 = arith.mulf %mul3A_134, %add3A_132 : vector<1250x128xf32>
    %exp3A_136 = math.exp %mul3A_135 : vector<1250x128xf32>
    %sub3A_137 = arith.subf %convert_element_type3A, %mul3A_11 : vector<1250x128xf32>
    %div3A_138 = arith.divf %sub3A_137, %mul3A_38 : vector<1250x128xf32>
    %sub3A_139 = arith.subf %convert_element_type3A_75, %mul3A_20 : vector<1250x128xf32>
    %div3A_140 = arith.divf %sub3A_139, %mul3A_41 : vector<1250x128xf32>
    %mul3A_141 = arith.mulf %div3A_138, %div3A_138 : vector<1250x128xf32>
    %mul3A_142 = arith.mulf %div3A_140, %div3A_140 : vector<1250x128xf32>
    %add3A_143 = arith.addf %mul3A_141, %mul3A_142 : vector<1250x128xf32>
    %mul3A_144 = arith.constant -5.000000e-01 : f32
    %mul3A_145 = vector.broadcast %mul3A_144 : f32 to vector<1250x128xf32>
    %mul3A_146 = arith.mulf %mul3A_145, %add3A_143 : vector<1250x128xf32>
    %exp3A_147 = math.exp %mul3A_146 : vector<1250x128xf32>
    %sub3A_148 = arith.subf %convert_element_type3A_57, %mul3A_11 : vector<1250x128xf32>
    %div3A_149 = arith.divf %sub3A_148, %mul3A_38 : vector<1250x128xf32>
    %sub3A_150 = arith.subf %convert_element_type3A_81, %mul3A_20 : vector<1250x128xf32>
    %div3A_151 = arith.divf %sub3A_150, %mul3A_41 : vector<1250x128xf32>
    %mul3A_152 = arith.mulf %div3A_149, %div3A_149 : vector<1250x128xf32>
    %mul3A_153 = arith.mulf %div3A_151, %div3A_151 : vector<1250x128xf32>
    %add3A_154 = arith.addf %mul3A_152, %mul3A_153 : vector<1250x128xf32>
    %mul3A_155 = arith.constant -5.000000e-01 : f32
    %mul3A_156 = vector.broadcast %mul3A_155 : f32 to vector<1250x128xf32>
    %mul3A_157 = arith.mulf %mul3A_156, %add3A_154 : vector<1250x128xf32>
    %exp3A_158 = math.exp %mul3A_157 : vector<1250x128xf32>
    %sub3A_159 = arith.subf %convert_element_type3A_63, %mul3A_11 : vector<1250x128xf32>
    %div3A_160 = arith.divf %sub3A_159, %mul3A_38 : vector<1250x128xf32>
    %sub3A_161 = arith.subf %convert_element_type3A_87, %mul3A_20 : vector<1250x128xf32>
    %div3A_162 = arith.divf %sub3A_161, %mul3A_41 : vector<1250x128xf32>
    %mul3A_163 = arith.mulf %div3A_160, %div3A_160 : vector<1250x128xf32>
    %mul3A_164 = arith.mulf %div3A_162, %div3A_162 : vector<1250x128xf32>
    %add3A_165 = arith.addf %mul3A_163, %mul3A_164 : vector<1250x128xf32>
    %mul3A_166 = arith.constant -5.000000e-01 : f32
    %mul3A_167 = vector.broadcast %mul3A_166 : f32 to vector<1250x128xf32>
    %mul3A_168 = arith.mulf %mul3A_167, %add3A_165 : vector<1250x128xf32>
    %exp3A_169 = math.exp %mul3A_168 : vector<1250x128xf32>
    %sub3A_170 = arith.subf %convert_element_type3A_69, %mul3A_11 : vector<1250x128xf32>
    %div3A_171 = arith.divf %sub3A_170, %mul3A_38 : vector<1250x128xf32>
    %sub3A_172 = arith.subf %convert_element_type3A_93, %mul3A_20 : vector<1250x128xf32>
    %div3A_173 = arith.divf %sub3A_172, %mul3A_41 : vector<1250x128xf32>
    %mul3A_174 = arith.mulf %div3A_171, %div3A_171 : vector<1250x128xf32>
    %mul3A_175 = arith.mulf %div3A_173, %div3A_173 : vector<1250x128xf32>
    %add3A_176 = arith.addf %mul3A_174, %mul3A_175 : vector<1250x128xf32>
    %mul3A_177 = arith.constant -5.000000e-01 : f32
    %mul3A_178 = vector.broadcast %mul3A_177 : f32 to vector<1250x128xf32>
    %mul3A_179 = arith.mulf %mul3A_178, %add3A_176 : vector<1250x128xf32>
    %exp3A_180 = math.exp %mul3A_179 : vector<1250x128xf32>
    %add3A_181 = arith.constant 9.99999997E-7 : f32
    %add3A_182 = vector.broadcast %add3A_181 : f32 to vector<1250x128xf32>
    %add3A_183 = arith.addf %exp3A_103, %add3A_182 : vector<1250x128xf32>
    %add3A_184 = arith.constant 9.99999997E-7 : f32
    %add3A_185 = vector.broadcast %add3A_184 : f32 to vector<1250x128xf32>
    %add3A_186 = arith.addf %exp3A_114, %add3A_185 : vector<1250x128xf32>
    %add3A_187 = arith.addf %add3A_183, %add3A_186 : vector<1250x128xf32>
    %add3A_188 = arith.constant 9.99999997E-7 : f32
    %add3A_189 = vector.broadcast %add3A_188 : f32 to vector<1250x128xf32>
    %add3A_190 = arith.addf %exp3A_125, %add3A_189 : vector<1250x128xf32>
    %add3A_191 = arith.addf %add3A_187, %add3A_190 : vector<1250x128xf32>
    %add3A_192 = arith.constant 9.99999997E-7 : f32
    %add3A_193 = vector.broadcast %add3A_192 : f32 to vector<1250x128xf32>
    %add3A_194 = arith.addf %exp3A_136, %add3A_193 : vector<1250x128xf32>
    %add3A_195 = arith.addf %add3A_191, %add3A_194 : vector<1250x128xf32>
    %add3A_196 = arith.constant 9.99999997E-7 : f32
    %add3A_197 = vector.broadcast %add3A_196 : f32 to vector<1250x128xf32>
    %add3A_198 = arith.addf %exp3A_147, %add3A_197 : vector<1250x128xf32>
    %add3A_199 = arith.addf %add3A_195, %add3A_198 : vector<1250x128xf32>
    %add3A_200 = arith.constant 9.99999997E-7 : f32
    %add3A_201 = vector.broadcast %add3A_200 : f32 to vector<1250x128xf32>
    %add3A_202 = arith.addf %exp3A_158, %add3A_201 : vector<1250x128xf32>
    %add3A_203 = arith.addf %add3A_199, %add3A_202 : vector<1250x128xf32>
    %add3A_204 = arith.constant 9.99999997E-7 : f32
    %add3A_205 = vector.broadcast %add3A_204 : f32 to vector<1250x128xf32>
    %add3A_206 = arith.addf %exp3A_169, %add3A_205 : vector<1250x128xf32>
    %add3A_207 = arith.addf %add3A_203, %add3A_206 : vector<1250x128xf32>
    %add3A_208 = arith.constant 9.99999997E-7 : f32
    %add3A_209 = vector.broadcast %add3A_208 : f32 to vector<1250x128xf32>
    %add3A_210 = arith.addf %exp3A_180, %add3A_209 : vector<1250x128xf32>
    %add3A_211 = arith.addf %add3A_207, %add3A_210 : vector<1250x128xf32>
    %mul3A_212 = arith.mulf %get3A_44, %exp3A_103 : vector<1250x128xf32>
    %div3A_213 = arith.divf %mul3A_212, %add3A_211 : vector<1250x128xf32>
    %convert_element_type3A_214 = arith.fptosi %floor3A : vector<1250x128xf32> to vector<1250x128xi32>
    %jit3A = arith.constant 0 : i32
    %jit3A_215 = arith.constant 9999 : i32
    %max3A_216 = vector.broadcast %jit3A : i32 to vector<1250x128xi32>
    %max3A_217 = arith.maxsi %max3A_216, %convert_element_type3A_214 : vector<1250x128xi32>
    %min3A = vector.broadcast %jit3A_215 : i32 to vector<1250x128xi32>
    %min3A_218 = arith.minsi %min3A, %max3A_217 : vector<1250x128xi32>
    %swap3A = arith.constant 0 : index
    %swap3A_219 = arith.constant 0 : index
    %swap3A_220 = arith.constant 0 : index
    %swap3A_221 = vector.load %arg6[%swap3A, %swap3A_219, %swap3A_220] : memref<8x1250x128xi32, #tpu.memory_space<vmem>>, vector<1x1250x128xi32>
    %swap3A_222 = vector.shape_cast %swap3A_221 : vector<1x1250x128xi32> to vector<1250x128xi32>
    %swap3A_223 = vector.shape_cast %min3A_218 : vector<1250x128xi32> to vector<1x1250x128xi32>
    tpu.vector_store %arg6[%swap3A, %swap3A_219, %swap3A_220], %swap3A_223 {strides = array<i32>} : memref<8x1250x128xi32, #tpu.memory_space<vmem>>, vector<1x1250x128xi32>,
    %convert_element_type3A_224 = arith.fptosi %floor3A_45 : vector<1250x128xf32> to vector<1250x128xi32>
    %jit3A_225 = arith.constant 0 : i32
    %jit3A_226 = arith.constant 9999 : i32
    %max3A_227 = vector.broadcast %jit3A_225 : i32 to vector<1250x128xi32>
    %max3A_228 = arith.maxsi %max3A_227, %convert_element_type3A_224 : vector<1250x128xi32>
    %min3A_229 = vector.broadcast %jit3A_226 : i32 to vector<1250x128xi32>
    %min3A_230 = arith.minsi %min3A_229, %max3A_228 : vector<1250x128xi32>
    %swap3A_231 = arith.constant 0 : index
    %swap3A_232 = arith.constant 0 : index
    %swap3A_233 = arith.constant 0 : index
    %swap3A_234 = vector.load %arg7[%swap3A_231, %swap3A_232, %swap3A_233] : memref<8x1250x128xi32, #tpu.memory_space<vmem>>, vector<1x1250x128xi32>
    %swap3A_235 = vector.shape_cast %swap3A_234 : vector<1x1250x128xi32> to vector<1250x128xi32>
    %swap3A_236 = vector.shape_cast %min3A_230 : vector<1250x128xi32> to vector<1x1250x128xi32>
    tpu.vector_store %arg7[%swap3A_231, %swap3A_232, %swap3A_233], %swap3A_236 {strides = array<i32>} : memref<8x1250x128xi32, #tpu.memory_space<vmem>>, vector<1x1250x128xi32>,
    %swap3A_237 = arith.constant 0 : index
    %swap3A_238 = arith.constant 0 : index
    %swap3A_239 = arith.constant 0 : index
    %swap3A_240 = vector.load %arg8[%swap3A_237, %swap3A_238, %swap3A_239] : memref<8x1250x128xf32, #tpu.memory_space<vmem>>, vector<1x1250x128xf32>
    %swap3A_241 = vector.shape_cast %swap3A_240 : vector<1x1250x128xf32> to vector<1250x128xf32>
    %swap3A_242 = vector.shape_cast %div3A_213 : vector<1250x128xf32> to vector<1x1250x128xf32>
    tpu.vector_store %arg8[%swap3A_237, %swap3A_238, %swap3A_239], %swap3A_242 {strides = array<i32>} : memref<8x1250x128xf32, #tpu.memory_space<vmem>>, vector<1x1250x128xf32>,
    %mul3A_243 = arith.mulf %get3A_44, %exp3A_114 : vector<1250x128xf32>
    %div3A_244 = arith.divf %mul3A_243, %add3A_211 : vector<1250x128xf32>
    %convert_element_type3A_245 = arith.fptosi %floor3A : vector<1250x128xf32> to vector<1250x128xi32>
    %jit3A_246 = arith.constant 0 : i32
    %jit3A_247 = arith.constant 9999 : i32
    %max3A_248 = vector.broadcast %jit3A_246 : i32 to vector<1250x128xi32>
    %max3A_249 = arith.maxsi %max3A_248, %convert_element_type3A_245 : vector<1250x128xi32>
    %min3A_250 = vector.broadcast %jit3A_247 : i32 to vector<1250x128xi32>
    %min3A_251 = arith.minsi %min3A_250, %max3A_249 : vector<1250x128xi32>
    %swap3A_252 = arith.constant 1 : index
    %swap3A_253 = arith.constant 0 : index
    %swap3A_254 = arith.constant 0 : index
    %swap3A_255 = vector.load %arg6[%swap3A_252, %swap3A_253, %swap3A_254] : memref<8x1250x128xi32, #tpu.memory_space<vmem>>, vector<1x1250x128xi32>
    %swap3A_256 = vector.shape_cast %swap3A_255 : vector<1x1250x128xi32> to vector<1250x128xi32>
    %swap3A_257 = vector.shape_cast %min3A_251 : vector<1250x128xi32> to vector<1x1250x128xi32>
    tpu.vector_store %arg6[%swap3A_252, %swap3A_253, %swap3A_254], %swap3A_257 {strides = array<i32>} : memref<8x1250x128xi32, #tpu.memory_space<vmem>>, vector<1x1250x128xi32>,
    %convert_element_type3A_258 = arith.fptosi %ceil3A_46 : vector<1250x128xf32> to vector<1250x128xi32>
    %jit3A_259 = arith.constant 0 : i32
    %jit3A_260 = arith.constant 9999 : i32
    %max3A_261 = vector.broadcast %jit3A_259 : i32 to vector<1250x128xi32>
    %max3A_262 = arith.maxsi %max3A_261, %convert_element_type3A_258 : vector<1250x128xi32>
    %min3A_263 = vector.broadcast %jit3A_260 : i32 to vector<1250x128xi32>
    %min3A_264 = arith.minsi %min3A_263, %max3A_262 : vector<1250x128xi32>
    %swap3A_265 = arith.constant 1 : index
    %swap3A_266 = arith.constant 0 : index
    %swap3A_267 = arith.constant 0 : index
    %swap3A_268 = vector.load %arg7[%swap3A_265, %swap3A_266, %swap3A_267] : memref<8x1250x128xi32, #tpu.memory_space<vmem>>, vector<1x1250x128xi32>
    %swap3A_269 = vector.shape_cast %swap3A_268 : vector<1x1250x128xi32> to vector<1250x128xi32>
    %swap3A_270 = vector.shape_cast %min3A_264 : vector<1250x128xi32> to vector<1x1250x128xi32>
    tpu.vector_store %arg7[%swap3A_265, %swap3A_266, %swap3A_267], %swap3A_270 {strides = array<i32>} : memref<8x1250x128xi32, #tpu.memory_space<vmem>>, vector<1x1250x128xi32>,
    %swap3A_271 = arith.constant 1 : index
    %swap3A_272 = arith.constant 0 : index
    %swap3A_273 = arith.constant 0 : index
    %swap3A_274 = vector.load %arg8[%swap3A_271, %swap3A_272, %swap3A_273] : memref<8x1250x128xf32, #tpu.memory_space<vmem>>, vector<1x1250x128xf32>
    %swap3A_275 = vector.shape_cast %swap3A_274 : vector<1x1250x128xf32> to vector<1250x128xf32>
    %swap3A_276 = vector.shape_cast %div3A_244 : vector<1250x128xf32> to vector<1x1250x128xf32>
    tpu.vector_store %arg8[%swap3A_271, %swap3A_272, %swap3A_273], %swap3A_276 {strides = array<i32>} : memref<8x1250x128xf32, #tpu.memory_space<vmem>>, vector<1x1250x128xf32>,
    %mul3A_277 = arith.mulf %get3A_44, %exp3A_125 : vector<1250x128xf32>
    %div3A_278 = arith.divf %mul3A_277, %add3A_211 : vector<1250x128xf32>
    %convert_element_type3A_279 = arith.fptosi %ceil3A : vector<1250x128xf32> to vector<1250x128xi32>
    %jit3A_280 = arith.constant 0 : i32
    %jit3A_281 = arith.constant 9999 : i32
    %max3A_282 = vector.broadcast %jit3A_280 : i32 to vector<1250x128xi32>
    %max3A_283 = arith.maxsi %max3A_282, %convert_element_type3A_279 : vector<1250x128xi32>
    %min3A_284 = vector.broadcast %jit3A_281 : i32 to vector<1250x128xi32>
    %min3A_285 = arith.minsi %min3A_284, %max3A_283 : vector<1250x128xi32>
    %swap3A_286 = arith.constant 2 : index
    %swap3A_287 = arith.constant 0 : index
    %swap3A_288 = arith.constant 0 : index
    %swap3A_289 = vector.load %arg6[%swap3A_286, %swap3A_287, %swap3A_288] : memref<8x1250x128xi32, #tpu.memory_space<vmem>>, vector<1x1250x128xi32>
    %swap3A_290 = vector.shape_cast %swap3A_289 : vector<1x1250x128xi32> to vector<1250x128xi32>
    %swap3A_291 = vector.shape_cast %min3A_285 : vector<1250x128xi32> to vector<1x1250x128xi32>
    tpu.vector_store %arg6[%swap3A_286, %swap3A_287, %swap3A_288], %swap3A_291 {strides = array<i32>} : memref<8x1250x128xi32, #tpu.memory_space<vmem>>, vector<1x1250x128xi32>,
    %convert_element_type3A_292 = arith.fptosi %floor3A_45 : vector<1250x128xf32> to vector<1250x128xi32>
    %jit3A_293 = arith.constant 0 : i32
    %jit3A_294 = arith.constant 9999 : i32
    %max3A_295 = vector.broadcast %jit3A_293 : i32 to vector<1250x128xi32>
    %max3A_296 = arith.maxsi %max3A_295, %convert_element_type3A_292 : vector<1250x128xi32>
    %min3A_297 = vector.broadcast %jit3A_294 : i32 to vector<1250x128xi32>
    %min3A_298 = arith.minsi %min3A_297, %max3A_296 : vector<1250x128xi32>
    %swap3A_299 = arith.constant 2 : index
    %swap3A_300 = arith.constant 0 : index
    %swap3A_301 = arith.constant 0 : index
    %swap3A_302 = vector.load %arg7[%swap3A_299, %swap3A_300, %swap3A_301] : memref<8x1250x128xi32, #tpu.memory_space<vmem>>, vector<1x1250x128xi32>
    %swap3A_303 = vector.shape_cast %swap3A_302 : vector<1x1250x128xi32> to vector<1250x128xi32>
    %swap3A_304 = vector.shape_cast %min3A_298 : vector<1250x128xi32> to vector<1x1250x128xi32>
    tpu.vector_store %arg7[%swap3A_299, %swap3A_300, %swap3A_301], %swap3A_304 {strides = array<i32>} : memref<8x1250x128xi32, #tpu.memory_space<vmem>>, vector<1x1250x128xi32>,
    %swap3A_305 = arith.constant 2 : index
    %swap3A_306 = arith.constant 0 : index
    %swap3A_307 = arith.constant 0 : index
    %swap3A_308 = vector.load %arg8[%swap3A_305, %swap3A_306, %swap3A_307] : memref<8x1250x128xf32, #tpu.memory_space<vmem>>, vector<1x1250x128xf32>
    %swap3A_309 = vector.shape_cast %swap3A_308 : vector<1x1250x128xf32> to vector<1250x128xf32>
    %swap3A_310 = vector.shape_cast %div3A_278 : vector<1250x128xf32> to vector<1x1250x128xf32>
    tpu.vector_store %arg8[%swap3A_305, %swap3A_306, %swap3A_307], %swap3A_310 {strides = array<i32>} : memref<8x1250x128xf32, #tpu.memory_space<vmem>>, vector<1x1250x128xf32>,
    %mul3A_311 = arith.mulf %get3A_44, %exp3A_136 : vector<1250x128xf32>
    %div3A_312 = arith.divf %mul3A_311, %add3A_211 : vector<1250x128xf32>
    %convert_element_type3A_313 = arith.fptosi %ceil3A : vector<1250x128xf32> to vector<1250x128xi32>
    %jit3A_314 = arith.constant 0 : i32
    %jit3A_315 = arith.constant 9999 : i32
    %max3A_316 = vector.broadcast %jit3A_314 : i32 to vector<1250x128xi32>
    %max3A_317 = arith.maxsi %max3A_316, %convert_element_type3A_313 : vector<1250x128xi32>
    %min3A_318 = vector.broadcast %jit3A_315 : i32 to vector<1250x128xi32>
    %min3A_319 = arith.minsi %min3A_318, %max3A_317 : vector<1250x128xi32>
    %swap3A_320 = arith.constant 3 : index
    %swap3A_321 = arith.constant 0 : index
    %swap3A_322 = arith.constant 0 : index
    %swap3A_323 = vector.load %arg6[%swap3A_320, %swap3A_321, %swap3A_322] : memref<8x1250x128xi32, #tpu.memory_space<vmem>>, vector<1x1250x128xi32>
    %swap3A_324 = vector.shape_cast %swap3A_323 : vector<1x1250x128xi32> to vector<1250x128xi32>
    %swap3A_325 = vector.shape_cast %min3A_319 : vector<1250x128xi32> to vector<1x1250x128xi32>
    tpu.vector_store %arg6[%swap3A_320, %swap3A_321, %swap3A_322], %swap3A_325 {strides = array<i32>} : memref<8x1250x128xi32, #tpu.memory_space<vmem>>, vector<1x1250x128xi32>,
    %convert_element_type3A_326 = arith.fptosi %ceil3A_46 : vector<1250x128xf32> to vector<1250x128xi32>
    %jit3A_327 = arith.constant 0 : i32
    %jit3A_328 = arith.constant 9999 : i32
    %max3A_329 = vector.broadcast %jit3A_327 : i32 to vector<1250x128xi32>
    %max3A_330 = arith.maxsi %max3A_329, %convert_element_type3A_326 : vector<1250x128xi32>
    %min3A_331 = vector.broadcast %jit3A_328 : i32 to vector<1250x128xi32>
    %min3A_332 = arith.minsi %min3A_331, %max3A_330 : vector<1250x128xi32>
    %swap3A_333 = arith.constant 3 : index
    %swap3A_334 = arith.constant 0 : index
    %swap3A_335 = arith.constant 0 : index
    %swap3A_336 = vector.load %arg7[%swap3A_333, %swap3A_334, %swap3A_335] : memref<8x1250x128xi32, #tpu.memory_space<vmem>>, vector<1x1250x128xi32>
    %swap3A_337 = vector.shape_cast %swap3A_336 : vector<1x1250x128xi32> to vector<1250x128xi32>
    %swap3A_338 = vector.shape_cast %min3A_332 : vector<1250x128xi32> to vector<1x1250x128xi32>
    tpu.vector_store %arg7[%swap3A_333, %swap3A_334, %swap3A_335], %swap3A_338 {strides = array<i32>} : memref<8x1250x128xi32, #tpu.memory_space<vmem>>, vector<1x1250x128xi32>,
    %swap3A_339 = arith.constant 3 : index
    %swap3A_340 = arith.constant 0 : index
    %swap3A_341 = arith.constant 0 : index
    %swap3A_342 = vector.load %arg8[%swap3A_339, %swap3A_340, %swap3A_341] : memref<8x1250x128xf32, #tpu.memory_space<vmem>>, vector<1x1250x128xf32>
    %swap3A_343 = vector.shape_cast %swap3A_342 : vector<1x1250x128xf32> to vector<1250x128xf32>
    %swap3A_344 = vector.shape_cast %div3A_312 : vector<1250x128xf32> to vector<1x1250x128xf32>
    tpu.vector_store %arg8[%swap3A_339, %swap3A_340, %swap3A_341], %swap3A_344 {strides = array<i32>} : memref<8x1250x128xf32, #tpu.memory_space<vmem>>, vector<1x1250x128xf32>,
    %mul3A_345 = arith.mulf %get3A_44, %exp3A_147 : vector<1250x128xf32>
    %div3A_346 = arith.divf %mul3A_345, %add3A_211 : vector<1250x128xf32>
    %convert_element_type3A_347 = arith.fptosi %convert_element_type3A : vector<1250x128xf32> to vector<1250x128xi32>
    %jit3A_348 = arith.constant 0 : i32
    %jit3A_349 = arith.constant 9999 : i32
    %max3A_350 = vector.broadcast %jit3A_348 : i32 to vector<1250x128xi32>
    %max3A_351 = arith.maxsi %max3A_350, %convert_element_type3A_347 : vector<1250x128xi32>
    %min3A_352 = vector.broadcast %jit3A_349 : i32 to vector<1250x128xi32>
    %min3A_353 = arith.minsi %min3A_352, %max3A_351 : vector<1250x128xi32>
    %swap3A_354 = arith.constant 4 : index
    %swap3A_355 = arith.constant 0 : index
    %swap3A_356 = arith.constant 0 : index
    %swap3A_357 = vector.load %arg6[%swap3A_354, %swap3A_355, %swap3A_356] : memref<8x1250x128xi32, #tpu.memory_space<vmem>>, vector<1x1250x128xi32>
    %swap3A_358 = vector.shape_cast %swap3A_357 : vector<1x1250x128xi32> to vector<1250x128xi32>
    %swap3A_359 = vector.shape_cast %min3A_353 : vector<1250x128xi32> to vector<1x1250x128xi32>
    tpu.vector_store %arg6[%swap3A_354, %swap3A_355, %swap3A_356], %swap3A_359 {strides = array<i32>} : memref<8x1250x128xi32, #tpu.memory_space<vmem>>, vector<1x1250x128xi32>,
    %convert_element_type3A_360 = arith.fptosi %convert_element_type3A_75 : vector<1250x128xf32> to vector<1250x128xi32>
    %jit3A_361 = arith.constant 0 : i32
    %jit3A_362 = arith.constant 9999 : i32
    %max3A_363 = vector.broadcast %jit3A_361 : i32 to vector<1250x128xi32>
    %max3A_364 = arith.maxsi %max3A_363, %convert_element_type3A_360 : vector<1250x128xi32>
    %min3A_365 = vector.broadcast %jit3A_362 : i32 to vector<1250x128xi32>
    %min3A_366 = arith.minsi %min3A_365, %max3A_364 : vector<1250x128xi32>
    %swap3A_367 = arith.constant 4 : index
    %swap3A_368 = arith.constant 0 : index
    %swap3A_369 = arith.constant 0 : index
    %swap3A_370 = vector.load %arg7[%swap3A_367, %swap3A_368, %swap3A_369] : memref<8x1250x128xi32, #tpu.memory_space<vmem>>, vector<1x1250x128xi32>
    %swap3A_371 = vector.shape_cast %swap3A_370 : vector<1x1250x128xi32> to vector<1250x128xi32>
    %swap3A_372 = vector.shape_cast %min3A_366 : vector<1250x128xi32> to vector<1x1250x128xi32>
    tpu.vector_store %arg7[%swap3A_367, %swap3A_368, %swap3A_369], %swap3A_372 {strides = array<i32>} : memref<8x1250x128xi32, #tpu.memory_space<vmem>>, vector<1x1250x128xi32>,
    %swap3A_373 = arith.constant 4 : index
    %swap3A_374 = arith.constant 0 : index
    %swap3A_375 = arith.constant 0 : index
    %swap3A_376 = vector.load %arg8[%swap3A_373, %swap3A_374, %swap3A_375] : memref<8x1250x128xf32, #tpu.memory_space<vmem>>, vector<1x1250x128xf32>
    %swap3A_377 = vector.shape_cast %swap3A_376 : vector<1x1250x128xf32> to vector<1250x128xf32>
    %swap3A_378 = vector.shape_cast %div3A_346 : vector<1250x128xf32> to vector<1x1250x128xf32>
    tpu.vector_store %arg8[%swap3A_373, %swap3A_374, %swap3A_375], %swap3A_378 {strides = array<i32>} : memref<8x1250x128xf32, #tpu.memory_space<vmem>>, vector<1x1250x128xf32>,
    %mul3A_379 = arith.mulf %get3A_44, %exp3A_158 : vector<1250x128xf32>
    %div3A_380 = arith.divf %mul3A_379, %add3A_211 : vector<1250x128xf32>
    %convert_element_type3A_381 = arith.fptosi %convert_element_type3A_57 : vector<1250x128xf32> to vector<1250x128xi32>
    %jit3A_382 = arith.constant 0 : i32
    %jit3A_383 = arith.constant 9999 : i32
    %max3A_384 = vector.broadcast %jit3A_382 : i32 to vector<1250x128xi32>
    %max3A_385 = arith.maxsi %max3A_384, %convert_element_type3A_381 : vector<1250x128xi32>
    %min3A_386 = vector.broadcast %jit3A_383 : i32 to vector<1250x128xi32>
    %min3A_387 = arith.minsi %min3A_386, %max3A_385 : vector<1250x128xi32>
    %swap3A_388 = arith.constant 5 : index
    %swap3A_389 = arith.constant 0 : index
    %swap3A_390 = arith.constant 0 : index
    %swap3A_391 = vector.load %arg6[%swap3A_388, %swap3A_389, %swap3A_390] : memref<8x1250x128xi32, #tpu.memory_space<vmem>>, vector<1x1250x128xi32>
    %swap3A_392 = vector.shape_cast %swap3A_391 : vector<1x1250x128xi32> to vector<1250x128xi32>
    %swap3A_393 = vector.shape_cast %min3A_387 : vector<1250x128xi32> to vector<1x1250x128xi32>
    tpu.vector_store %arg6[%swap3A_388, %swap3A_389, %swap3A_390], %swap3A_393 {strides = array<i32>} : memref<8x1250x128xi32, #tpu.memory_space<vmem>>, vector<1x1250x128xi32>,
    %convert_element_type3A_394 = arith.fptosi %convert_element_type3A_81 : vector<1250x128xf32> to vector<1250x128xi32>
    %jit3A_395 = arith.constant 0 : i32
    %jit3A_396 = arith.constant 9999 : i32
    %max3A_397 = vector.broadcast %jit3A_395 : i32 to vector<1250x128xi32>
    %max3A_398 = arith.maxsi %max3A_397, %convert_element_type3A_394 : vector<1250x128xi32>
    %min3A_399 = vector.broadcast %jit3A_396 : i32 to vector<1250x128xi32>
    %min3A_400 = arith.minsi %min3A_399, %max3A_398 : vector<1250x128xi32>
    %swap3A_401 = arith.constant 5 : index
    %swap3A_402 = arith.constant 0 : index
    %swap3A_403 = arith.constant 0 : index
    %swap3A_404 = vector.load %arg7[%swap3A_401, %swap3A_402, %swap3A_403] : memref<8x1250x128xi32, #tpu.memory_space<vmem>>, vector<1x1250x128xi32>
    %swap3A_405 = vector.shape_cast %swap3A_404 : vector<1x1250x128xi32> to vector<1250x128xi32>
    %swap3A_406 = vector.shape_cast %min3A_400 : vector<1250x128xi32> to vector<1x1250x128xi32>
    tpu.vector_store %arg7[%swap3A_401, %swap3A_402, %swap3A_403], %swap3A_406 {strides = array<i32>} : memref<8x1250x128xi32, #tpu.memory_space<vmem>>, vector<1x1250x128xi32>,
    %swap3A_407 = arith.constant 5 : index
    %swap3A_408 = arith.constant 0 : index
    %swap3A_409 = arith.constant 0 : index
    %swap3A_410 = vector.load %arg8[%swap3A_407, %swap3A_408, %swap3A_409] : memref<8x1250x128xf32, #tpu.memory_space<vmem>>, vector<1x1250x128xf32>
    %swap3A_411 = vector.shape_cast %swap3A_410 : vector<1x1250x128xf32> to vector<1250x128xf32>
    %swap3A_412 = vector.shape_cast %div3A_380 : vector<1250x128xf32> to vector<1x1250x128xf32>
    tpu.vector_store %arg8[%swap3A_407, %swap3A_408, %swap3A_409], %swap3A_412 {strides = array<i32>} : memref<8x1250x128xf32, #tpu.memory_space<vmem>>, vector<1x1250x128xf32>,
    %mul3A_413 = arith.mulf %get3A_44, %exp3A_169 : vector<1250x128xf32>
    %div3A_414 = arith.divf %mul3A_413, %add3A_211 : vector<1250x128xf32>
    %convert_element_type3A_415 = arith.fptosi %convert_element_type3A_63 : vector<1250x128xf32> to vector<1250x128xi32>
    %jit3A_416 = arith.constant 0 : i32
    %jit3A_417 = arith.constant 9999 : i32
    %max3A_418 = vector.broadcast %jit3A_416 : i32 to vector<1250x128xi32>
    %max3A_419 = arith.maxsi %max3A_418, %convert_element_type3A_415 : vector<1250x128xi32>
    %min3A_420 = vector.broadcast %jit3A_417 : i32 to vector<1250x128xi32>
    %min3A_421 = arith.minsi %min3A_420, %max3A_419 : vector<1250x128xi32>
    %swap3A_422 = arith.constant 6 : index
    %swap3A_423 = arith.constant 0 : index
    %swap3A_424 = arith.constant 0 : index
    %swap3A_425 = vector.load %arg6[%swap3A_422, %swap3A_423, %swap3A_424] : memref<8x1250x128xi32, #tpu.memory_space<vmem>>, vector<1x1250x128xi32>
    %swap3A_426 = vector.shape_cast %swap3A_425 : vector<1x1250x128xi32> to vector<1250x128xi32>
    %swap3A_427 = vector.shape_cast %min3A_421 : vector<1250x128xi32> to vector<1x1250x128xi32>
    tpu.vector_store %arg6[%swap3A_422, %swap3A_423, %swap3A_424], %swap3A_427 {strides = array<i32>} : memref<8x1250x128xi32, #tpu.memory_space<vmem>>, vector<1x1250x128xi32>,
    %convert_element_type3A_428 = arith.fptosi %convert_element_type3A_87 : vector<1250x128xf32> to vector<1250x128xi32>
    %jit3A_429 = arith.constant 0 : i32
    %jit3A_430 = arith.constant 9999 : i32
    %max3A_431 = vector.broadcast %jit3A_429 : i32 to vector<1250x128xi32>
    %max3A_432 = arith.maxsi %max3A_431, %convert_element_type3A_428 : vector<1250x128xi32>
    %min3A_433 = vector.broadcast %jit3A_430 : i32 to vector<1250x128xi32>
    %min3A_434 = arith.minsi %min3A_433, %max3A_432 : vector<1250x128xi32>
    %swap3A_435 = arith.constant 6 : index
    %swap3A_436 = arith.constant 0 : index
    %swap3A_437 = arith.constant 0 : index
    %swap3A_438 = vector.load %arg7[%swap3A_435, %swap3A_436, %swap3A_437] : memref<8x1250x128xi32, #tpu.memory_space<vmem>>, vector<1x1250x128xi32>
    %swap3A_439 = vector.shape_cast %swap3A_438 : vector<1x1250x128xi32> to vector<1250x128xi32>
    %swap3A_440 = vector.shape_cast %min3A_434 : vector<1250x128xi32> to vector<1x1250x128xi32>
    tpu.vector_store %arg7[%swap3A_435, %swap3A_436, %swap3A_437], %swap3A_440 {strides = array<i32>} : memref<8x1250x128xi32, #tpu.memory_space<vmem>>, vector<1x1250x128xi32>,
    %swap3A_441 = arith.constant 6 : index
    %swap3A_442 = arith.constant 0 : index
    %swap3A_443 = arith.constant 0 : index
    %swap3A_444 = vector.load %arg8[%swap3A_441, %swap3A_442, %swap3A_443] : memref<8x1250x128xf32, #tpu.memory_space<vmem>>, vector<1x1250x128xf32>
    %swap3A_445 = vector.shape_cast %swap3A_444 : vector<1x1250x128xf32> to vector<1250x128xf32>
    %swap3A_446 = vector.shape_cast %div3A_414 : vector<1250x128xf32> to vector<1x1250x128xf32>
    tpu.vector_store %arg8[%swap3A_441, %swap3A_442, %swap3A_443], %swap3A_446 {strides = array<i32>} : memref<8x1250x128xf32, #tpu.memory_space<vmem>>, vector<1x1250x128xf32>,
    %mul3A_447 = arith.mulf %get3A_44, %exp3A_180 : vector<1250x128xf32>
    %div3A_448 = arith.divf %mul3A_447, %add3A_211 : vector<1250x128xf32>
    %convert_element_type3A_449 = arith.fptosi %convert_element_type3A_69 : vector<1250x128xf32> to vector<1250x128xi32>
    %jit3A_450 = arith.constant 0 : i32
    %jit3A_451 = arith.constant 9999 : i32
    %max3A_452 = vector.broadcast %jit3A_450 : i32 to vector<1250x128xi32>
    %max3A_453 = arith.maxsi %max3A_452, %convert_element_type3A_449 : vector<1250x128xi32>
    %min3A_454 = vector.broadcast %jit3A_451 : i32 to vector<1250x128xi32>
    %min3A_455 = arith.minsi %min3A_454, %max3A_453 : vector<1250x128xi32>
    %swap3A_456 = arith.constant 7 : index
    %swap3A_457 = arith.constant 0 : index
    %swap3A_458 = arith.constant 0 : index
    %swap3A_459 = vector.load %arg6[%swap3A_456, %swap3A_457, %swap3A_458] : memref<8x1250x128xi32, #tpu.memory_space<vmem>>, vector<1x1250x128xi32>
    %swap3A_460 = vector.shape_cast %swap3A_459 : vector<1x1250x128xi32> to vector<1250x128xi32>
    %swap3A_461 = vector.shape_cast %min3A_455 : vector<1250x128xi32> to vector<1x1250x128xi32>
    tpu.vector_store %arg6[%swap3A_456, %swap3A_457, %swap3A_458], %swap3A_461 {strides = array<i32>} : memref<8x1250x128xi32, #tpu.memory_space<vmem>>, vector<1x1250x128xi32>,
    %convert_element_type3A_462 = arith.fptosi %convert_element_type3A_93 : vector<1250x128xf32> to vector<1250x128xi32>
    %jit3A_463 = arith.constant 0 : i32
    %jit3A_464 = arith.constant 9999 : i32
    %max3A_465 = vector.broadcast %jit3A_463 : i32 to vector<1250x128xi32>
    %max3A_466 = arith.maxsi %max3A_465, %convert_element_type3A_462 : vector<1250x128xi32>
    %min3A_467 = vector.broadcast %jit3A_464 : i32 to vector<1250x128xi32>
    %min3A_468 = arith.minsi %min3A_467, %max3A_466 : vector<1250x128xi32>
    %swap3A_469 = arith.constant 7 : index
    %swap3A_470 = arith.constant 0 : index
    %swap3A_471 = arith.constant 0 : index
    %swap3A_472 = vector.load %arg7[%swap3A_469, %swap3A_470, %swap3A_471] : memref<8x1250x128xi32, #tpu.memory_space<vmem>>, vector<1x1250x128xi32>
    %swap3A_473 = vector.shape_cast %swap3A_472 : vector<1x1250x128xi32> to vector<1250x128xi32>
    %swap3A_474 = vector.shape_cast %min3A_468 : vector<1250x128xi32> to vector<1x1250x128xi32>
    tpu.vector_store %arg7[%swap3A_469, %swap3A_470, %swap3A_471], %swap3A_474 {strides = array<i32>} : memref<8x1250x128xi32, #tpu.memory_space<vmem>>, vector<1x1250x128xi32>,
    %swap3A_475 = arith.constant 7 : index
    %swap3A_476 = arith.constant 0 : index
    %swap3A_477 = arith.constant 0 : index
    %swap3A_478 = vector.load %arg8[%swap3A_475, %swap3A_476, %swap3A_477] : memref<8x1250x128xf32, #tpu.memory_space<vmem>>, vector<1x1250x128xf32>
    %swap3A_479 = vector.shape_cast %swap3A_478 : vector<1x1250x128xf32> to vector<1250x128xf32>
    %swap3A_480 = vector.shape_cast %div3A_448 : vector<1250x128xf32> to vector<1x1250x128xf32>
    tpu.vector_store %arg8[%swap3A_475, %swap3A_476, %swap3A_477], %swap3A_480 {strides = array<i32>} : memref<8x1250x128xf32, #tpu.memory_space<vmem>>, vector<1x1250x128xf32>,
    return
  }
}

</mosaic_0001>

<sc_bundles>
// kernel: kernel.4.cloned.1.call-start
scs
__scs_entry_jumppad:
0x0: {  	(pc) =	sbr.rel $0x88, $3  }
0x1: {  	(tag) =	ssettag $0x0;
	lr =	simm.s32 $0x1  }
0x2: {  	[smem:$0x3F9E] =	sst lr;
	_ =	strace $0xD0000000  }
0x3: {  	_ = 	snop  }
0x4: {  	_ = 	snop  }
0x5: {  	_ = 	snop  }
0x6: {  	_ = 	snop  }
0x7: {  	_ = 	snop  }
__scs_overlays_trampoline_lowered:
0x8: {  	[smem:$0x3FAD] =	sst s0  }
0x9: {  	[smem:$0x3FAE] =	sst s1  }
0xa: {  	[smem:$0x3FAF] =	sst s2  }
0xb: {  	[smem:$0x3FB0] =	sst s3  }
0xc: {  	[smem:$0x3FB1] =	sst s4  }
0xd: {  	[smem:$0x3FB2] =	sst s5  }
0xe: {  	[smem:$0x3FB3] =	sst s6  }
0xf: {  	[smem:$0x3FB4] =	sst s7  }
0x10: {  	[smem:$0x3FB5] =	sst s8  }
0x11: {  	[smem:$0x3FB6] =	sst s9;
	s0 =	simm.s32 @!p0 $0x0  }
0x12: {  	s1 =	sld [smem:$0x3F9C];
	s0 =	simm.s32 @p0 $0x1  }
0x13: {  	[smem:$0x3FB7] =	sst s0;
	s0 =	simm.s32 @!p1 $0x0  }
0x14: {  	s2 =	sld [smem:$0x3F9B];
	s0 =	simm.s32 @p1 $0x1  }
0x15: {  	[smem:$0x3FB8] =	sst s0;
	s0 =	simm.s32 @!p2 $0x0  }
0x16: {  	s3 =	sld [smem:$0x3FDB];
	s0 =	simm.s32 @p2 $0x1  }
0x17: {  	s4 =	simm.s32 $0x1BF5;
	[smem:$0x3FBA] =	sst s0  }
0x18: {  	s0 =	sld [smem:$0x3F9D];
	_ =	swait.ge [sflag:s4], $0x0  }
0x19: {  	s7 =	sld [smem:$0x3F9E]  }
0x1a: {  	s8 =	sadd.s32 $0xFFFFE003, lr  }
0x1b: {  	s9 =	sadd.s32 $0xFFFFFEF7, lr;
	s5 =	simm.s32 $0xFFFFFFFF;
	p2 =	slt.u32 s8, $0xFFFFF086  }
0x1c: {  	p1 =	slt.u32 s9, $0xF7A;
	s5 =	simm.s32 @!p2 $0x0  }
0x1d: {  	s5 =	simm.s32 @p1 $0x1;
	p0 =	seq.s32 s7, s2  }
0x1e: {  	s7 =	smul.u32 @!p0 $0xF7A, s2;
	p2 =	seq.s32 @!p0 s5, $0x0  }
0x1f: {  	s9 =	smul.u32 $0xF7A, s1;
	s8 =	simm.s32 @!p0 $0x1BF5;
	p2 =	por !p2, p0  }
0x20: {  	[sflag:s8] =	ssyncset.s32 @!p0 $0xFFFFF086;
	s6 =	sadd.s32 @!p0 s3, s7;
	s7 =	simm.s32 @!p0 $0x108  }
0x21: {  	s3 =	sadd.s32 s3, s9;
	s6 =	sadd.s32 @!p0 $0x88, s6;
	s7 =	simm.s32 @p2 $0x1082  }
0x22: {  	[simem:s7], [sflag:s8] =	dma.local @!p0 [hbm:s6], $0xF7A  }
0x23: {  	s9 =	sor.u32 $0xD0000000, s2;
	s6 =	simm.s32 $0x108;
	_ =	swait.ge @!p0 [sflag:s8], $0x0  }
0x24: {  	s3 =	sadd.s32 $0x88, s3;
	s6 =	simm.s32 @!p1 $0x1082;
	[sflag:s4] =	ssyncset.s32 $0xFFFFF086  }
0x25: {  	[simem:s6], [sflag:s4] =	dma.local [hbm:s3], $0xF7A  }
0x26: {  	[smem:$0x3F9E] =	sst s1;
	(tag) =	ssettag s2;
	_ =	strace s9  }
0x27: {  	s1 =	sld [smem:$0x3FAE]  }
0x28: {  	s2 =	sld [smem:$0x3FAF]  }
0x29: {  	s4 =	sld [smem:$0x3FB1]  }
0x2a: {  	p0 =	seq.s32 s5, $0x0;
	s5 =	sld [smem:$0x3FB2]  }
0x2b: {  	s6 =	sld [smem:$0x3FB3]  }
0x2c: {  	s7 =	sld [smem:$0x3FB4]  }
0x2d: {  	s3 =	simm.s32 $0x108;
	s8 =	sld [smem:$0x3FB5]  }
0x2e: {  	s3 =	simm.s32 @!p0 $0x1082;
	s9 =	sld [smem:$0x3FB6]  }
0x2f: {  	lr =	sadd.s32 s0, s3;
	s0 =	sld [smem:$0x3FAD]  }
0x30: {  	s3 =	sld [smem:$0x3FB0]  }
0x31: {  	[smem:$0x3FB9] =	sst s10  }
0x32: {  	s10 =	sld [smem:$0x3FB7];
	_ =	sdelay $0x3  }
0x33: {  	p0 =	seq.s32 s10, $0x1;
	s10 =	sld [smem:$0x3FB9];
	_ =	sdelay $0x3  }
0x34: {  	[smem:$0x3FB9] =	sst s10  }
0x35: {  	s10 =	sld [smem:$0x3FB8];
	_ =	sdelay $0x3  }
0x36: {  	p1 =	seq.s32 s10, $0x1;
	s10 =	sld [smem:$0x3FB9];
	_ =	sdelay $0x3  }
0x37: {  	[smem:$0x3FB9] =	sst s10  }
0x38: {  	s10 =	sld [smem:$0x3FBA]  }
0x39: {  	_ = 	snop;
	(pc) =	sbr.ind lr, $3  }
0x3a: {  	_ = 	snop  }
0x3b: {  	_ = 	snop  }
0x3c: {  	p2 =	seq.s32 s10, $0x1;
	s10 =	sld [smem:$0x3FB9]  }
0x3d: {  	_ =	shalt  }
0x3e: {  	_ =	shalt  }
0x3f: {  	_ =	shalt  }
0x40: {  	_ =	shalt  }
0x41: {  	_ =	shalt  }
0x42: {  	_ =	shalt  }
0x43: {  	_ =	shalt  }
0x44: {  	_ =	shalt  }
0x45: {  	_ =	shalt  }
0x46: {  	_ =	shalt  }
0x47: {  	_ =	shalt  }
0x48: {  	_ =	shalt  }
0x49: {  	_ =	shalt  }
0x4a: {  	_ =	shalt  }
0x4b: {  	_ =	shalt  }
0x4c: {  	_ =	shalt  }
0x4d: {  	_ =	shalt  }
0x4e: {  	_ =	shalt  }
0x4f: {  	_ =	shalt  }
0x50: {  	_ =	shalt  }
0x51: {  	_ =	shalt  }
0x52: {  	_ =	shalt  }
0x53: {  	_ =	shalt  }
0x54: {  	_ =	shalt  }
0x55: {  	_ =	shalt  }
0x56: {  	_ =	shalt  }
0x57: {  	_ =	shalt  }
0x58: {  	_ =	shalt  }
0x59: {  	_ =	shalt  }
0x5a: {  	_ =	shalt  }
0x5b: {  	_ =	shalt  }
0x5c: {  	_ =	shalt  }
0x5d: {  	_ =	shalt  }
0x5e: {  	_ =	shalt  }
0x5f: {  	_ =	shalt  }
0x60: {  	_ =	shalt  }
0x61: {  	_ =	shalt  }
0x62: {  	_ =	shalt  }
0x63: {  	_ =	shalt  }
0x64: {  	_ =	shalt  }
0x65: {  	_ =	shalt  }
0x66: {  	_ =	shalt  }
0x67: {  	_ =	shalt  }
0x68: {  	_ =	shalt  }
0x69: {  	_ =	shalt  }
0x6a: {  	_ =	shalt  }
0x6b: {  	_ =	shalt  }
0x6c: {  	_ =	shalt  }
0x6d: {  	_ =	shalt  }
0x6e: {  	_ =	shalt  }
0x6f: {  	_ =	shalt  }
0x70: {  	_ =	shalt  }
0x71: {  	_ =	shalt  }
0x72: {  	_ =	shalt  }
0x73: {  	_ =	shalt  }
0x74: {  	_ =	shalt  }
0x75: {  	_ =	shalt  }
0x76: {  	_ =	shalt  }
0x77: {  	_ =	shalt  }
0x78: {  	_ =	shalt  }
0x79: {  	_ =	shalt  }
0x7a: {  	_ =	shalt  }
0x7b: {  	_ =	shalt  }
0x7c: {  	_ =	shalt  }
0x7d: {  	_ =	shalt  }
0x7e: {  	_ =	shalt  }
0x7f: {  	_ =	shalt  }
0x80: {  	_ =	shalt  }
0x81: {  	_ =	shalt  }
0x82: {  	_ =	shalt  }
0x83: {  	_ =	shalt  }
0x84: {  	_ =	shalt  }
0x85: {  	_ =	shalt  }
0x86: {  	_ =	shalt  }
0x87: {  	_ =	shalt  }
.Lfunc_end0:
.L_simem_size_0:
called_computation_lowered:
.L_overlay_start_0:
0x88: {  	s2 =	sld [smem:$0x3FD9]  }
0x89: {  	s3 =	sld [smem:$0x3FFE];
	_ =	sdelay $0x1  }
0x8a: {  	s1 =	srdreg.scid  }
0x8b: {  	s0 =	sand.u32 $0x1, s1  }
0x8c: {  	s17 =	sshll.u32 s0, $0xA;
	s2 =	sadd.s32 s3, s2  }
0x8d: {  	s2 =	sadd.s32 s2, s17  }
0x8e: {  	[smem:$0x3FC5] =	sst s2  }
0x8f: {  	_ = 	snop  }
0x90: {  	s2 =	sld [smem:$0x3FD0];
	(tm) =	ssettm $0x1  }
0x91: {  	s18 =	sld [smem:$0x3FFB];
	_ =	sdelay $0x3  }
0x92: {  	_ =	strace s18  }
0x93: {  	s3 =	sld [smem:$0x3FFC];
	_ =	sdelay $0x3  }
0x94: {  	_ =	strace s3  }
0x95: {  	s3 =	sld [smem:$0x3FFD];
	_ =	sdelay $0x3  }
0x96: {  	_ =	strace s3  }
0x97: {  	_ =	strace $0x8FFFFFFF  }
0x98: {  	s19 =	sld [smem:$0x3FDB];
	_ =	sdelay $0x1  }
0x99: {  	s4 =	simm.s32 $_scs_section_size  }
0x9a: {  	s5 =	simm.s32 $_size__tile_overlayer_lowered;
	s6 =	simm.s32 $_tile_overlayer_lowered  }
0x9b: {  	s22 =	simm.s32 $0x1BFF;
	s21 =	sshll.u32 s6, $0x1;
	s3 =	sadd.s32 s4, s19  }
0x9c: {  	s7 =	simm.s32 $0x0;
	s20 =	sshll.u32 s5, $0x1;
	s5 =	sadd.s32 s21, s3  }
0x9d: {  	[timem:s7], [sflag:s22] =	dma.local [hbm:s5], s20  }
0x9e: {  	_ =	swait.ge [sflag:s22], s20  }
0x9f: {  	s4 =	ssub.s32 $0x0, s20;
	[sflag:s22] =	ssyncset.done $0x0  }
0xa0: {  	[sflag:s22] =	ssyncadd.s32 s4;
	_ =	sdelay $0x1  }
0xa1: {  	s23 =	simm.s32 $0x1B8B  }
0xa2: {  	_ =	swait.ge [sflag:s23], $0x1  }
0xa3: {  	[sflag:s23] =	ssyncset.done $0x0  }
0xa4: {  	s25 =	simm.s32 $0x1B8E;
	s24 =	sld [smem:$0x3FFE];
	[sflag:s23] =	ssyncadd.s32 $0xFFFFFFFF  }
0xa5: {  	s26 =	simm.s32 $execute0_lowered;
	[smem:$0x3FD2] =	sst s25  }
0xa6: {  	s5 =	sshll.u32 s26, $0x1;
	_ =	strace $0x80000046;
	[dreg:$0x1] =	wrdreg $0xFFFFFFFF  }
0xa7: {  	s28 =	simm.s32 $_size_execute0_lowered;
	s3 =	sadd.s32 s3, s5;
	[dreg:$0x0] =	wrdreg $0x0  }
0xa8: {  	s5 =	sshll.u32 s28, $0x1;
	[dreg:$0x2] =	wrdreg s3  }
0xa9: {  	[dreg:$0x3] =	wrdreg s5  }
0xaa: {  	[dreg:$0x4] =	wrdreg $0xC0  }
0xab: {  	_ =	task [dreg:s7], $0x5FFFF  }
0xac: {  	[dreg:$0x1] =	wrdreg $0xFFFFFFFF  }
0xad: {  	[dreg:$0x0] =	wrdreg $0x60  }
0xae: {  	[dreg:$0x2] =	wrdreg s24  }
0xaf: {  	[dreg:$0x3] =	wrdreg s2  }
0xb0: {  	[dreg:$0x4] =	wrdreg $0x4AB00  }
0xb1: {  	[dreg:$0x5] =	wrdreg $0x9  }
0xb2: {  	_ =	task.clear_ibuf [dreg:s7], $0x6FFFF;
	_ =	strace $0x90000046  }
0xb3: {  	s29 =	simm.s32 $0x9;
	_ =	strace $0x80000048  }
0xb4: {  	_ =	swait.ge [sflag:s29], $0x1  }
0xb5: {  	[sflag:s29] =	ssyncadd.s32 $0xFFFFFFFF  }
0xb6: {  	_ =	strace $0x90000048  }
0xb7: {  	_ =	sfence  }
0xb8: {  	s30 =	sld [smem:$0x0];
	_ =	sdelay $0x2  }
0xb9: {  	s31 =	sshll.u32 s1, $0xD;
	s1 =	sshrl.u32 s1, $0x2  }
0xba: {  	s3 =	sand.u32 $0x4000, s31;
	s1 =	sadd.s32 s1, s30  }
0xbb: {  	s0 =	sor.u32 s3, s0;
	s1 =	sshll.u32 s1, $0x11  }
0xbc: {  	s0 =	sor.u32 s1, s0  }
0xbd: {  	s0 =	sadd.s32 $0x8F2B, s0  }
0xbe: {  	[sflag:s0] =	ssyncadd.remote.s32 $0x1  }
0xbf: {  	_ =	sfence.sel $0xFFFF  }
0xc0: {  	[dreg:$0x0] =	wrdreg $0xFFFFFFFF;
	(pc) =	sbr.abs _section_cstart, $3  }
0xc1: {  	[dreg:$0x1] =	wrdreg $0xFFFFFFFF  }
0xc2: {  	_ =	task.clear_ibuf [dreg:s7], $0x2FFFF;
	_ =	strace $0x9FFFFFFF  }
0xc3: {  	(tm) =	ssettm $0x7FFFFFFF  }
tec
execute0_lowered:
.L_overlay_start_1:
0x0: {  	(tag) =	ssettag $0x1  }
0x1: {  	s1 =	rddreg [dreg:$0x0]  }
0x2: {  	s0 =	rddreg [dreg:$0x1]  }
0x3: {  	s2 =	rddreg [dreg:$0x2];
	s4 =	simm.s32 $0x0  }
0x4: {  	s3 =	srdreg.scid;
	s14 =	stileid.u32;
	s28 =	simm.s32 $0x1  }
0x5: {  	s29 =	simm.s32 $0x10;
	s30 =	simm.s32 $0x8;
	s31 =	simm.s32 $0x0  }
0x6: {  	[smem:$0x7FF] =	sst s4;
	s3 =	sand.u32 $0x1, s3;
	s11 =	smul.u32 $0x271, s14  }
0x7: {  	s5 =	sadd.s32 $0x9C800, s1;
	s9 =	smul.u32 $0x27100, s14;
	s6 =	sadd.s32 $0x27400, s1  }
0x8: {  	s7 =	sadd.s32 $0x4E600, s1;
	_ =	strace $0x80000047;
	s23 =	ssub.s32 $0x2, s3  }
0x9: {  	s18 =	sshll.u32 s3, $0x6;
	s3 =	smul.u32 $0x138800, s3;
	s8 =	sshrl.u32 s23, $0x1  }
0xa: {  	s24 =	sshrl.u32 s9, $0x2;
	s13 =	sadd.s32 $0x7D, s11;
	s15 =	sadd.s32 $0xFA, s11  }
0xb: {  	s16 =	sadd.s32 $0x177, s11;
	s17 =	sadd.s32 $0x1F4, s11;
	s11 =	smul.u32 $0x13880, s14  }
0xc: {  	s4 =	ssub.s32 s23, s8;
	s8 =	sadd.s32 s24, s2;
	s25 =	sshll.u32 s13, $0x6  }
0xd: {  	s10 =	sshll.u32 s15, $0x6;
	s12 =	sshll.u32 s16, $0x6;
	s26 =	sshll.u32 s17, $0x6  }
0xe: {  	s20 =	sshll.u32 s13, $0x7;
	s22 =	sshll.u32 s15, $0x7;
	s23 =	sshll.u32 s16, $0x7  }
0xf: {  	s24 =	sshll.u32 s17, $0x7;
	s9 =	sadd.s32 s25, s2;
	s10 =	sadd.s32 s10, s2  }
0x10: {  	s12 =	sadd.s32 s12, s2;
	s19 =	sor.u32 s18, s11;
	s13 =	sadd.s32 s26, s2  }
0x11: {  	s20 =	sor.u32 s18, s20;
	s14 =	sadd.s32 s3, s11;
	s15 =	sor.u32 s18, s23  }
0x12: {  	s16 =	sor.u32 s18, s24;
	s23 =	simm.s32 $0x7D0;
	s24 =	simm.s32 $0xFA0  }
0x13: {  	s19 =	sshrl.u32 s19, $0x3;
	s21 =	sshrl.u32 s20, $0x3;
	s15 =	sshrl.u32 s15, $0x3  }
0x14: {  	s26 =	sshrl.u32 s16, $0x3;
	s20 =	smax.u32 s4, $0x1;
	s3 =	sadd.s32 s0, s21  }
0x15: {  	s19 =	sadd.s32 s0, s19;
	[dreg:$0x5] =	wrdreg s3;
	s3 =	sor.u32 s18, s22  }
0x16: {  	s25 =	sadd.s32 s0, s15;
	[dreg:$0x4] =	wrdreg s19;
	s3 =	sshrl.u32 s3, $0x3  }
0x17: {  	s21 =	simm.s32 $0x2B70;
	[dreg:$0x7] =	wrdreg s25;
	s3 =	sadd.s32 s0, s3  }
0x18: {  	s22 =	simm.s32 $0x2;
	s0 =	sadd.s32 s0, s26;
	[dreg:$0x6] =	wrdreg s3  }
0x19: {  	v0 =	vimm.f32 $0.0e+00;
	s25 =	simm.s32 $0x50;
	s26 =	simm.s32 $0x1770;
	[dreg:$0x8] =	wrdreg s0  }
.LBB2_1:
0x1a: {  	s3 =	simm.s32 $0x0  }
0x1b: {  	s0 =	sand.u32 $0x7F00, s3  }
0x1c: {  	s3 =	sand.u32 $0x30, s3;
	s4 =	sshrl.u32 s0, $0x2  }
0x1d: {  	s0 =	simm.s32 $0x40;
	s4 =	sor.u32 s3, s4;
	s3 =	simm.s32 $0x0  }
.LBB2_2:
0x1e: {  	p0 =	sne.s32 s0, $0x7CC0  }
0x1f: {  	[tilespmem:s4+$0x2B70] =	vst v0;
	s3 =	sadd.s32 $0x10, s3;
	s4 =	smov.u32 s0;
	s0 =	sadd.s32 $0x40, s0  }
.Ltmp0:
0x20: {  	(pc) =	sbr.rel @p0 .LBB2_2-.Ltmp0, $4  }
0x21: {  	_ = 	snop  }
0x22: {  	s4 =	sand.u32 $0x7F00, s4  }
0x23: {  	s15 =	sand.u32 $0x30, s3;
	s4 =	sshrl.u32 s4, $0x2  }
0x24: {  	s4 =	sor.u32 s15, s4  }
0x25: {  	[tilespmem:s4+$0x2B70] =	vst v0  }
0x26: {  	[spmem:s8] =	stream.linear.scatter [tilespmem:s21], [sflag:$0x2], $0x1F40, $0x38;
	[tilespmem:$0xE6F0] =	vst v63  }
0x27: {  	_ =	swait.ge [sflag:s22], $0x1F40  }
0x28: {  	[sflag:s22] =	ssyncset.done $0x0  }
0x29: {  	[sflag:s22] =	ssyncadd.s32 $0xFFFFE0C0  }
0x2a: {  	[spmem:s9] =	stream.linear.scatter [tilespmem:s21], [sflag:$0x2], $0x1F40, $0x38;
	[tilespmem:$0xE6F0] =	vst v63  }
0x2b: {  	_ =	swait.ge [sflag:s22], $0x1F40  }
0x2c: {  	[sflag:s22] =	ssyncset.done $0x0  }
0x2d: {  	[sflag:s22] =	ssyncadd.s32 $0xFFFFE0C0  }
0x2e: {  	[spmem:s10] =	stream.linear.scatter [tilespmem:s21], [sflag:$0x2], $0x1F40, $0x38;
	[tilespmem:$0xE6F0] =	vst v63  }
0x2f: {  	_ =	swait.ge [sflag:s22], $0x1F40  }
0x30: {  	[sflag:s22] =	ssyncset.done $0x0  }
0x31: {  	[sflag:s22] =	ssyncadd.s32 $0xFFFFE0C0  }
0x32: {  	[spmem:s12] =	stream.linear.scatter [tilespmem:s21], [sflag:$0x2], $0x1F40, $0x38;
	[tilespmem:$0xE6F0] =	vst v63  }
0x33: {  	_ =	swait.ge [sflag:s22], $0x1F40  }
0x34: {  	[sflag:s22] =	ssyncset.done $0x0  }
0x35: {  	[sflag:s22] =	ssyncadd.s32 $0xFFFFE0C0  }
0x36: {  	[spmem:s13] =	stream.linear.scatter [tilespmem:s21], [sflag:$0x2], $0x1F40, $0x38;
	[tilespmem:$0xE6F0] =	vst v63  }
0x37: {  	_ =	swait.ge [sflag:s22], $0x1F40  }
0x38: {  	[sflag:s22] =	ssyncset.done $0x0  }
0x39: {  	[sflag:s22] =	ssyncadd.s32 $0xFFFFE0C0  }
0x3a: {  	s0 =	simm.s32 $0x0;
	s3 =	simm.s32 $0x0;
	[bflag:$0x0] =	sbarrier.arrive $0xFFFF  }
.LBB2_4:
0x3b: {  	s4 =	smul.u32 $0x7D0, s3;
	_ =	sdelay $0x1  }
0x3c: {  	s15 =	sadd.s32 s11, s4  }
0x3d: {  	s15 =	sshrl.u32 s15, $0x3  }
0x3e: {  	s16 =	sadd.s32 s6, s15  }
0x3f: {  	[tilespmem:s0], [sflag:$0x2] =	stream.linear.gather [hbm4b:s16+s0], $0x7D0, $0x38;
	[tilespmem:$0xE6F0] =	vst v63  }
0x40: {  	s4 =	sadd.s32 s14, s4;
	_ =	swait.ge [sflag:s22], $0x7D0  }
0x41: {  	s4 =	sshrl.u32 s4, $0x3;
	[sflag:s22] =	ssyncset.done $0x0  }
0x42: {  	s4 =	sadd.s32 s7, s4;
	[sflag:s22] =	ssyncadd.s32 $0xFFFFF830  }
0x43: {  	[tilespmem:s23], [sflag:$0x2] =	stream.linear.gather [hbm4b:s4+s0], $0x7D0, $0x38;
	[tilespmem:$0xE6F0] =	vst v63  }
0x44: {  	_ =	swait.ge [sflag:s22], $0x7D0  }
0x45: {  	[sflag:s22] =	ssyncset.done $0x0  }
0x46: {  	s19 =	sadd.s32 s1, s15;
	[sflag:s22] =	ssyncadd.s32 $0xFFFFF830  }
0x47: {  	[tilespmem:s24], [sflag:$0x2] =	stream.linear.gather [hbm4b:s19+s0], $0x7D0, $0x38;
	[tilespmem:$0xE6F0] =	vst v63  }
0x48: {  	_ =	swait.ge [sflag:s22], $0x7D0  }
0x49: {  	[sflag:s22] =	ssyncset.done $0x0  }
0x4a: {  	s4 =	simm.s32 $0x0;
	[sflag:s22] =	ssyncadd.s32 $0xFFFFF830  }
.LBB2_5:
0x4b: {  	v1 =	vmov s4  }
0x4c: {  	v1 =	vmul.u32 $0x50, v1  }
0x4d: {  	s15 =	smul.u32 $0x50, s4;
	s16 =	simm.s32 $0x0  }
0x4e: {  	v2 =	vmov s16;
	v1 =	vbroadcast v1, $0x0  }
0x4f: {  	s19 =	sadd.s32 $0x7D0, s15;
	v3 =	vand.u32 $0x78, v2  }
0x50: {  	v2 =	vand.u32 $0x7, v2;
	[tilespmem:s26], [sflag:$0x1] =	stream.indirect.gather [hbm4b:s5+s25], $0x40, s19, s25, $0xb8;
	v3 =	vadd.s32 v1, v3;
	[tilespmem:$0xE6F0] =	vst v63  }
0x51: {  	_ =	swait.ge [sflag:s28], $0x1400;
	v2 =	vor.u32 v2, v3  }
0x52: {  	[sflag:s28] =	ssyncset.done $0x0  }
0x53: {  	s16 =	simm.s32 $0x1790;
	[sflag:s28] =	ssyncadd.s32 $0xFFFFEC00  }
0x54: {  	v4 =	vld [tilespmem:s16+$0xFFFFFFF0]  }
0x55: {  	v5 =	vld [tilespmem:s16+$0x10]  }
0x56: {  	v7 =	vld.idx.msk [tilespmem:v2+s24+$0x0], $0xffff  }
0x57: {  	v2 =	vld [tilespmem:s16+$0xFFFFFFE0]  }
0x58: {  	v8 =	vld [tilespmem:s16+$0x0]  }
0x59: {  	s17 =	simm.s32 $0x1  }
0x5a: {  	v3 =	vmov s17  }
0x5b: {  	v6 =	vand.u32 $0x78, v3;
	v9 =	vand.u32 $0x7, v3  }
0x5c: {  	v10 =	vadd.s32 v1, v6;
	v3 =	vmul.f32 v2, v7;
	v6 =	vmul.f32 v5, v7  }
0x5d: {  	s18 =	simm.s32 $0x1790;
	s17 =	simm.s32 $0x2;
	v2 =	vor.u32 v9, v10;
	v5 =	vmul.f32 v4, v7;
	v4 =	vmul.f32 v8, v7  }
.LBB2_6:
0x5e: {  	p0 =	sne.s32 s17, $0x4F  }
0x5f: {  	[tilespmem:s16+$0x10] =	vst v6;
	s18 =	sadd.s32 $0x40, s18;
	s19 =	smov.u32 s17;
	s17 =	sadd.s32 $0x1, s17  }
0x60: {  	[tilespmem:s16+$0xFFFFFFE0] =	vst v3  }
0x61: {  	v7 =	vld [tilespmem:s18+$0xFFFFFFF0];
	[tilespmem:s16+$0xFFFFFFF0] =	vst v5  }
0x62: {  	v5 =	vld [tilespmem:s18+$0x10];
	[tilespmem:s16+$0x0] =	vst v4;
	s16 =	smov.u32 s18  }
0x63: {  	v4 =	vld.idx.msk [tilespmem:v2+s24+$0x0], $0xffff  }
0x64: {  	v2 =	vld [tilespmem:s18+$0xFFFFFFE0]  }
0x65: {  	v8 =	vld [tilespmem:s18+$0x0]  }
.Ltmp1:
0x66: {  	(pc) =	sbr.rel @p0 .LBB2_6-.Ltmp1, $4  }
0x67: {  	v3 =	vmov s19  }
0x68: {  	v6 =	vand.u32 $0x78, v3;
	v9 =	vand.u32 $0x7, v3  }
0x69: {  	v10 =	vadd.s32 v1, v6;
	v6 =	vmul.f32 v5, v4;
	v3 =	vmul.f32 v2, v4  }
0x6a: {  	v5 =	vmul.f32 v7, v4;
	v2 =	vor.u32 v9, v10;
	v4 =	vmul.f32 v8, v4  }
0x6b: {  	[tilespmem:s16+$0x10] =	vst v6  }
0x6c: {  	s17 =	sadd.s32 $0x40, s18;
	[tilespmem:s16+$0xFFFFFFE0] =	vst v3  }
0x6d: {  	v1 =	vld [tilespmem:s17+$0xFFFFFFF0];
	[tilespmem:s16+$0xFFFFFFF0] =	vst v5  }
0x6e: {  	v3 =	vld [tilespmem:s17+$0x10];
	[tilespmem:s16+$0x0] =	vst v4  }
0x6f: {  	v2 =	vld.idx.msk [tilespmem:v2+s24+$0x0], $0xffff  }
0x70: {  	v4 =	vld [tilespmem:s17+$0xFFFFFFE0];
	_ =	sdelay $0x1  }
0x71: {  	v5 =	vld [tilespmem:s17+$0x0];
	_ =	sdelay $0x1  }
0x72: {  	v3 =	vmul.f32 v3, v2  }
0x73: {  	v4 =	vmul.f32 v4, v2  }
0x74: {  	v1 =	vmul.f32 v1, v2;
	[tilespmem:s17+$0x10] =	vst v3  }
0x75: {  	s4 =	sadd.s32 $0x1, s4;
	v2 =	vmul.f32 v5, v2;
	[tilespmem:s17+$0xFFFFFFE0] =	vst v4  }
0x76: {  	p0 =	sne.s32 s4, $0x19;
	[tilespmem:s17+$0xFFFFFFF0] =	vst v1  }
.Ltmp2:
0x77: {  	[tilespmem:s17+$0x0] =	vst v2;
	(pc) =	sbr.rel @p0 .LBB2_5-.Ltmp2, $4  }
0x78: {  	[spmem:s2] =	stream.indirect.scatter.add.f32 [tilespmem:s26], [sflag:$0x2], $0x40, s15, s25, $0xb8;
	[tilespmem:$0xE6F0] =	vst v63  }
0x79: {  	_ =	swait.ge [sflag:s22], $0x1400  }
0x7a: {  	[sflag:s22] =	ssyncset.done $0x0  }
0x7b: {  	[sflag:s22] =	ssyncadd.s32 $0xFFFFEC00  }
0x7c: {  	s3 =	sadd.s32 $0x1, s3  }
0x7d: {  	p0 =	sne.s32 s3, $0x28  }
.Ltmp3:
0x7e: {  	_ = 	snop;
	(pc) =	sbr.rel @p0 .LBB2_4-.Ltmp3, $1  }
0x7f: {  	_ =	sdelay $0x3  }
0x80: {  	s0 =	stileid.u32  }
0x81: {  	[bflag:$0x0] =	sbarrier.arrive $0xFFFF;
	s0 =	sshll.u32 s0, $0x6  }
0x82: {  	s3 =	sshrl.u32 s8, $0x3;
	s4 =	rddreg [dreg:$0x4];
	s0 =	sor.u32 $0x1C02, s0  }
0x83: {  	[hbm:s4@s29], [sflag:s0] =	dma.strided [spmem:s3@s30], $0x3E8, s28, $0x8   }
0x84: {  	_ =	swait.ge [sflag:s22], $0x3E8  }
0x85: {  	[sflag:s22] =	ssyncset.done $0x0  }
0x86: {  	s18 =	sshrl.u32 s9, $0x3;
	s19 =	rddreg [dreg:$0x5];
	[sflag:s22] =	ssyncadd.s32 $0xFFFFFC18  }
0x87: {  	[hbm:s19@s29], [sflag:s0] =	dma.strided [spmem:s18@s30], $0x3E8, s28, $0x8   }
0x88: {  	_ =	swait.ge [sflag:s22], $0x3E8  }
0x89: {  	[sflag:s22] =	ssyncset.done $0x0  }
0x8a: {  	s4 =	sshrl.u32 s10, $0x3;
	s15 =	rddreg [dreg:$0x6];
	[sflag:s22] =	ssyncadd.s32 $0xFFFFFC18  }
0x8b: {  	[hbm:s15@s29], [sflag:s0] =	dma.strided [spmem:s4@s30], $0x3E8, s28, $0x8   }
0x8c: {  	_ =	swait.ge [sflag:s22], $0x3E8  }
0x8d: {  	[sflag:s22] =	ssyncset.done $0x0  }
0x8e: {  	s16 =	sshrl.u32 s12, $0x3;
	s17 =	rddreg [dreg:$0x7];
	[sflag:s22] =	ssyncadd.s32 $0xFFFFFC18  }
0x8f: {  	[hbm:s17@s29], [sflag:s0] =	dma.strided [spmem:s16@s30], $0x3E8, s28, $0x8   }
0x90: {  	s31 =	sadd.s32 $0x1, s31;
	_ =	swait.ge [sflag:s22], $0x3E8  }
0x91: {  	p0 =	sne.s32 s31, s20;
	s18 =	sshrl.u32 s13, $0x3;
	[sflag:s22] =	ssyncset.done $0x0  }
.Ltmp4:
0x92: {  	s19 =	rddreg [dreg:$0x8];
	[sflag:s22] =	ssyncadd.s32 $0xFFFFFC18;
	(pc) =	sbr.rel @p0 .LBB2_1-.Ltmp4, $4  }
0x93: {  	[hbm:s19@s29], [sflag:s0] =	dma.strided [spmem:s18@s30], $0x3E8, s28, $0x8   }
0x94: {  	_ =	swait.ge [sflag:s22], $0x3E8  }
0x95: {  	[sflag:s22] =	ssyncset.done $0x0  }
0x96: {  	[sflag:s22] =	ssyncadd.s32 $0xFFFFFC18  }
0x97: {  	_ =	sfence.sel $0x180000  }
0x98: {  	[bflag:$0x0] =	sbarrier.arrive $0xFFFF  }
0x99: {  	_ =	strace $0x90000047  }
0x9a: {  	s0 =	stileid.u32;
	[bflag:$0x2] =	sbarrier.arrive $0xFFFF  }
0x9b: {  	p0 =	sne.s32 s0, $0x0;
	s0 =	rddreg [dreg:$0x3]  }
0x9c: {  	s0 =	sadd.s32 @!p0 $0x100000, s0  }
0x9d: {  	[sflag:s0] =	ssyncadd.tile.s32 @!p0 $0x1;
	_ =	shalt  }
.Lfunc_end2:
_tile_overlayer_lowered:
.L_overlay_start_2:
0x9e: {  	(tag) =	ssettag $0x2  }
0x9f: {  	s0 =	rddreg [dreg:$0x0];
	s2 =	stileid.u32  }
0xa0: {  	s1 =	rddreg [dreg:$0x1];
	p0 =	sne.s32 s2, $0x0  }
0xa1: {  	s3 =	rddreg [dreg:$0x2];
	[bflag:$0x3] =	sbarrier.arrive $0xFFFF;
	s2 =	simm.s32 @!p0 $0x1C02  }
0xa2: {  	[timem:s3], [sflag:s2] =	dma.local @!p0 [hbm:s0], s1  }
0xa3: {  	s0 =	simm.s32 @!p0 $0x2  }
0xa4: {  	_ =	swait.ge @!p0 [sflag:s0], s1  }
0xa5: {  	s1 =	ssub.s32 @!p0 $0x0, s1;
	[sflag:s0] =	ssyncset.done @!p0 $0x0  }
0xa6: {  	[sflag:s0] =	ssyncadd.s32 @!p0 s1  }
0xa7: {  	[bflag:$0x3] =	sbarrier.arrive $0xFFFF  }
0xa8: {  	_ =	shalt  }

</sc_bundles>
